<compile_context>
chip_gen: v7x
topology: tpu7x:2x2x1
jax: 0.10.2.dev20260603
libtpu: 0.0.44.dev20260713+nightly
codegen_flags: <defaults>
</compile_context>

<pallas_src>
import functools

import jax
import jax.numpy as jnp
from jax import lax
from jax.experimental import pallas as pl
from jax.experimental.pallas import tpu as pltpu
from jax.experimental.pallas import tpu_sc as plsc

N = 10000
E = 320000
D = 128
H = D // 2

CHUNK = 128
CHUNKS = 158
EPT = CHUNKS * CHUNK
EPAD = 16 * EPT
NPAD = 10240
ROWS_PER_TILE = NPAD // 16
WB = 128
WB_ITERS = ROWS_PER_TILE // WB


def _silu(v):
    return v * (1.0 / (1.0 + jnp.exp(-v)))


def _ln(v, eps=1e-6):
    m = jnp.mean(v, axis=-1, keepdims=True)
    var = jnp.mean((v - m) * (v - m), axis=-1, keepdims=True)
    return (v - m) / jnp.sqrt(var + eps)


def _split_halves(h):
    return jnp.moveaxis(h.reshape(h.shape[0], 2, H), 1, 0)



_BLK = 2000


def _pre_body(x_ref, g_ref, b_ref, o_ref):
    h = _ln(x_ref[...]) * g_ref[...] + b_ref[...]
    o_ref[...] = _split_halves(_silu(h))


def _tc_pre(x, gamma, beta):
    out = pl.pallas_call(
        _pre_body,
        grid=(N // _BLK,),
        in_specs=[
            pl.BlockSpec((_BLK, D), lambda i: (i, 0)),
            pl.BlockSpec((1, D), lambda i: (0, 0)),
            pl.BlockSpec((1, D), lambda i: (0, 0)),
        ],
        out_specs=pl.BlockSpec((2, _BLK, H), lambda i: (0, i, 0)),
        out_shape=jax.ShapeDtypeStruct((2, N, H), jnp.float32),
    )(x, gamma.reshape(1, D), beta.reshape(1, D))
    return out.reshape(2 * N, H)


def _mid_body(p_ref, w_ref, b_ref, o_ref):
    agg = jnp.concatenate([p_ref[0], p_ref[1]], axis=1)
    t = lax.dot_general(agg, w_ref[...], (((1,), (0,)), ((), ())),
                        preferred_element_type=jnp.float32) + b_ref[...]
    o_ref[...] = _split_halves(_silu(_ln(t)))


def _tc_mid(p, w, b):
    out = pl.pallas_call(
        _mid_body,
        grid=(N // _BLK,),
        in_specs=[
            pl.BlockSpec((2, _BLK, H), lambda i: (0, i, 0)),
            pl.BlockSpec((D, D), lambda i: (0, 0)),
            pl.BlockSpec((1, D), lambda i: (0, 0)),
        ],
        out_specs=pl.BlockSpec((2, _BLK, H), lambda i: (0, i, 0)),
        out_shape=jax.ShapeDtypeStruct((2, N, H), jnp.float32),
    )(p, w, b.reshape(1, D))
    return out.reshape(2 * N, H)


def _fin_body(p_ref, w_ref, b_ref, x_ref, o_ref):
    agg = jnp.concatenate([p_ref[0], p_ref[1]], axis=1)
    t = lax.dot_general(agg, w_ref[...], (((1,), (0,)), ((), ())),
                        preferred_element_type=jnp.float32) + b_ref[...]
    o_ref[...] = t + x_ref[...]


def _tc_fin(p, w, b, x):
    return pl.pallas_call(
        _fin_body,
        grid=(N // _BLK,),
        in_specs=[
            pl.BlockSpec((2, _BLK, H), lambda i: (0, i, 0)),
            pl.BlockSpec((D, D), lambda i: (0, 0)),
            pl.BlockSpec((1, D), lambda i: (0, 0)),
            pl.BlockSpec((_BLK, D), lambda i: (i, 0)),
        ],
        out_specs=pl.BlockSpec((_BLK, D), lambda i: (i, 0)),
        out_shape=jax.ShapeDtypeStruct((N, D), jnp.float32),
    )(p, w, b.reshape(1, D), x)



@functools.partial(
    pl.kernel,
    mesh=plsc.VectorSubcoreMesh(core_axis_name="c", subcore_axis_name="s"),
    out_type=jax.ShapeDtypeStruct((2, NPAD, H), jnp.float32),
    compiler_params=pltpu.CompilerParams(use_tc_tiling_on_sc=False),
    scratch_types=[
        pltpu.VMEM((CHUNKS, CHUNK), jnp.int32),
        pltpu.VMEM((CHUNKS, CHUNK), jnp.int32),
        pltpu.VMEM((CHUNK, H), jnp.float32),
        pltpu.VMEM((CHUNK, H), jnp.float32),
        pltpu.VMEM((WB, H), jnp.float32),
        pltpu.VMEM_SHARED((NPAD, H), jnp.float32),
        pltpu.SemaphoreType.DMA,
        pltpu.SemaphoreType.DMA,
    ],
)
def _sc_agg(h_hbm, src_hbm, dst_hbm, zeros_hbm, out_hbm,
            src_v, dst_v, buf0, buf1, zbuf, agg_sh, sem0, sem1):
    c = lax.axis_index("c")
    s = lax.axis_index("s")

    pltpu.sync_copy(src_hbm.at[c, s], src_v)
    pltpu.sync_copy(dst_hbm.at[s], dst_v)

    pltpu.sync_copy(zeros_hbm, zbuf)
    base = s * ROWS_PER_TILE

    for k in range(WB_ITERS):
        pltpu.async_copy(zbuf, agg_sh.at[pl.ds(base + k * WB, WB)], sem0)
    for k in range(WB_ITERS):
        pltpu.make_async_copy(zbuf, agg_sh.at[pl.ds(base + k * WB, WB)],
                              sem0).wait()
    plsc.subcore_barrier()

    pltpu.async_copy(h_hbm.at[src_v.at[0]], buf0, sem0)

    def _step(i, _):
        j = i * 2
        pltpu.async_copy(h_hbm.at[src_v.at[j + 1]], buf1, sem1)
        pltpu.make_async_copy(h_hbm.at[src_v.at[j]], buf0, sem0).wait()
        pltpu.sync_copy(buf0, agg_sh.at[dst_v.at[j]], add=True)
        pltpu.async_copy(h_hbm.at[src_v.at[j + 2]], buf0, sem0)
        pltpu.make_async_copy(h_hbm.at[src_v.at[j + 1]], buf1, sem1).wait()
        pltpu.sync_copy(buf1, agg_sh.at[dst_v.at[j + 1]], add=True)
        return 0

    lax.fori_loop(0, (CHUNKS - 2) // 2, _step, 0)
    pltpu.async_copy(h_hbm.at[src_v.at[CHUNKS - 1]], buf1, sem1)
    pltpu.make_async_copy(h_hbm.at[src_v.at[CHUNKS - 2]], buf0, sem0).wait()
    pltpu.sync_copy(buf0, agg_sh.at[dst_v.at[CHUNKS - 2]], add=True)
    pltpu.make_async_copy(h_hbm.at[src_v.at[CHUNKS - 1]], buf1, sem1).wait()
    pltpu.sync_copy(buf1, agg_sh.at[dst_v.at[CHUNKS - 1]], add=True)

    plsc.subcore_barrier()

    wbufs = (buf0, buf1)
    wsems = (sem0, sem1)
    for k in range(WB_ITERS):
        b, sm = wbufs[k % 2], wsems[k % 2]
        if k >= 2:
            pltpu.make_async_copy(
                b, out_hbm.at[c, pl.ds(base + (k - 2) * WB, WB)], sm).wait()
        pltpu.async_copy(agg_sh.at[pl.ds(base + k * WB, WB)], b, sm)
        pltpu.make_async_copy(
            agg_sh.at[pl.ds(base + k * WB, WB)], b, sm).wait()
        pltpu.async_copy(b, out_hbm.at[c, pl.ds(base + k * WB, WB)], sm)
    for k in range(WB_ITERS - 2, WB_ITERS):
        b, sm = wbufs[k % 2], wsems[k % 2]
        pltpu.make_async_copy(
            b, out_hbm.at[c, pl.ds(base + k * WB, WB)], sm).wait()



def kernel(x, edge_index, ln_gamma, ln_beta, W1, b1, W2, b2):
    src = edge_index[0]
    dst = edge_index[1]

    pad = EPAD - E
    src_p = jnp.concatenate([src, jnp.zeros((pad,), jnp.int32)])
    dst_p = jnp.concatenate([dst, jnp.full((pad,), NPAD - 1, jnp.int32)])
    src3 = src_p.reshape(16, CHUNKS, CHUNK)
    src4 = jnp.stack([src3, src3 + N])
    dst3 = dst_p.reshape(16, CHUNKS, CHUNK)
    zeros_tile = jnp.zeros((WB, H), jnp.float32)

    h1 = _tc_pre(x, ln_gamma, ln_beta)
    p1 = _sc_agg(h1, src4, dst3, zeros_tile)
    h2 = _tc_mid(p1, W1, b1)
    p2 = _sc_agg(h2, src4, dst3, zeros_tile)
    return _tc_fin(p2, W2, b2, x)

# --- scband reference (transcript-rebuilt; emitter-appended) ---
"""Pipeline reference for scband-sparse3-dcnn-69449621176950 (READ-ONLY COPY).

The authoritative reference and input builder live on the scoring server;
editing this copy changes nothing except your own understanding.
"""

import jax, jax.numpy as jnp
import numpy as np

N = 10000
E = 320000
D = 128


def _layernorm(x, eps=1e-6):
    m = jnp.mean(x, axis=-1, keepdims=True)
    v = jnp.var(x, axis=-1, keepdims=True)
    return (x - m) / jnp.sqrt(v + eps)


def _silu(x):
    return x * jax.nn.sigmoid(x)


def setup_inputs(seed: int = 0) -> dict:
    key = jax.random.key(seed)
    ks = jax.random.split(key, 6)
    x = jax.random.normal(ks[0], (N, D), dtype=jnp.float32)
    edge_index = jax.random.randint(ks[1], (2, E), 0, N, dtype=jnp.int32)
    ln_gamma = jnp.ones((D,), dtype=jnp.float32)
    ln_beta = jnp.zeros((D,), dtype=jnp.float32)
    W1 = jax.random.normal(ks[2], (D, D), dtype=jnp.float32) * (1.0 / np.sqrt(D))
    b1 = jnp.zeros((D,), dtype=jnp.float32)
    W2 = jax.random.normal(ks[3], (D, D), dtype=jnp.float32) * 0.02
    b2 = jnp.zeros((D,), dtype=jnp.float32)
    return {"x": x, "edge_index": edge_index, "ln_gamma": ln_gamma, "ln_beta": ln_beta,
            "W1": W1, "b1": b1, "W2": W2, "b2": b2}


def reference(x, edge_index, ln_gamma, ln_beta, W1, b1, W2, b2):
    # SparseResBlock3d translated to message passing on sparse voxel neighbor graph.
    # norm1 (affine) -> silu -> sparse conv1 (gather + scatter-add + dense W) ->
    # norm2 (no affine) -> silu -> sparse conv2 (zero-init in torch) -> residual skip.
    src = edge_index[0]
    dst = edge_index[1]
    n = x.shape[0]

    h = _layernorm(x) * ln_gamma + ln_beta
    h = _silu(h)
    msg = jnp.take(h, src, axis=0)
    agg = jax.ops.segment_sum(msg, dst, num_segments=n)
    h = agg @ W1 + b1

    h = _layernorm(h)
    h = _silu(h)
    msg2 = jnp.take(h, src, axis=0)
    agg2 = jax.ops.segment_sum(msg2, dst, num_segments=n)
    h = agg2 @ W2 + b2

    # channels == out_channels -> identity skip connection
    return h + x

if __name__ == "__main__":
    import jax
    _d = setup_inputs()
    print(jax.jit(kernel)(*tuple(_d.values())))

</pallas_src>

<mosaic_0001>
#map = affine_map<(d0, d1) -> (0, 0)>
#map1 = affine_map<(d0, d1) -> (0, 0, 0, 0)>
#map2 = affine_map<(d0, d1) -> (0, 0, 0)>
module attributes {stable_mosaic.version = 14 : i64} {
  func.func @_sc_agg(%arg0: i32, %arg1: i32, %arg2: memref<20000x64xf32, #tpu.memory_space<hbm>>, %arg3: memref<2x16x158x128xi32, #tpu.memory_space<hbm>>, %arg4: memref<16x158x128xi32, #tpu.memory_space<hbm>>, %arg5: memref<128x64xf32, #tpu.memory_space<hbm>>, %arg6: memref<2x10240x64xf32, #tpu.memory_space<hbm>>, %arg7: memref<158x128xi32, #tpu.memory_space<vmem>>, %arg8: memref<158x128xi32, #tpu.memory_space<vmem>>, %arg9: memref<128x64xf32, #tpu.memory_space<vmem>>, %arg10: memref<128x64xf32, #tpu.memory_space<vmem>>, %arg11: memref<128x64xf32, #tpu.memory_space<vmem>>, %arg12: memref<10240x64xf32, #tpu.memory_space<vmem_shared>>, %arg13: memref<!tpu.dma_semaphore, #tpu.memory_space<semaphore_mem>>, %arg14: memref<!tpu.dma_semaphore, #tpu.memory_space<semaphore_mem>>) attributes {dimension_semantics = [#tpu.dimension_semantics<core_parallel>, #tpu.dimension_semantics<subcore_parallel>], iteration_bounds = array<i64: 2, 16>, scalar_prefetch = 0 : i64, scratch_operands = 8 : i64, tpu.core_type = #tpu.core_type<sc_vector_subcore>, window_params = [{transform_indices = #map}, {transform_indices = #map1}, {transform_indices = #map2}, {transform_indices = #map}, {transform_indices = #map2}]} {
    "tpu.region"() ({
      %run_scoped3A_234 = tpu.sem_alloc : memref<!tpu.dma_semaphore, #tpu.memory_space<semaphore_mem>>
      %dma_start3A_235 = arith.constant 0 : i32
      %dma_start3A_236 = arith.constant 0 : i32
      %dma_start3A_237 = tpu.memref_slice %arg3[%arg0, %arg1, %dma_start3A_235, %dma_start3A_236] : memref<2x16x158x128xi32, #tpu.memory_space<hbm>> -> memref<1x1x158x128xi32, #tpu.memory_space<hbm>>
      %dma_start3A_238 = tpu.memref_squeeze %dma_start3A_237 : memref<1x1x158x128xi32, #tpu.memory_space<hbm>> -> memref<158x128xi32, #tpu.memory_space<hbm>>
      %dma_start3A_239 = arith.constant 0 : i32
      %dma_start3A_240 = arith.constant 0 : i32
      %dma_start3A_241 = tpu.memref_slice %arg3[%arg0, %arg1, %dma_start3A_239, %dma_start3A_240] : memref<2x16x158x128xi32, #tpu.memory_space<hbm>> -> memref<1x1x158x128xi32, #tpu.memory_space<hbm>>
      %dma_start3A_242 = tpu.memref_squeeze %dma_start3A_241 : memref<1x1x158x128xi32, #tpu.memory_space<hbm>> -> memref<158x128xi32, #tpu.memory_space<hbm>>
      tpu.enqueue_dma source(%dma_start3A_242 : memref<158x128xi32, #tpu.memory_space<hbm>>) target(%arg7 : memref<158x128xi32, #tpu.memory_space<vmem>>) target_semaphore(%run_scoped3A_234 : memref<!tpu.dma_semaphore, #tpu.memory_space<semaphore_mem>>)
      %dma_wait3A_243 = arith.constant 0 : i32
      %dma_wait3A_244 = arith.constant 0 : i32
      %dma_wait3A_245 = tpu.memref_slice %arg3[%arg0, %arg1, %dma_wait3A_243, %dma_wait3A_244] : memref<2x16x158x128xi32, #tpu.memory_space<hbm>> -> memref<1x1x158x128xi32, #tpu.memory_space<hbm>>
      %dma_wait3A_246 = tpu.memref_squeeze %dma_wait3A_245 : memref<1x1x158x128xi32, #tpu.memory_space<hbm>> -> memref<158x128xi32, #tpu.memory_space<hbm>>
      %dma_wait3A_247 = arith.constant 0 : i32
      %dma_wait3A_248 = arith.constant 0 : i32
      %dma_wait3A_249 = tpu.memref_slice %arg3[%arg0, %arg1, %dma_wait3A_247, %dma_wait3A_248] : memref<2x16x158x128xi32, #tpu.memory_space<hbm>> -> memref<1x1x158x128xi32, #tpu.memory_space<hbm>>
      %dma_wait3A_250 = tpu.memref_squeeze %dma_wait3A_249 : memref<1x1x158x128xi32, #tpu.memory_space<hbm>> -> memref<158x128xi32, #tpu.memory_space<hbm>>
      tpu.wait_dma2 semaphore(%run_scoped3A_234 : memref<!tpu.dma_semaphore, #tpu.memory_space<semaphore_mem>>) src(%dma_wait3A_250 : memref<158x128xi32, #tpu.memory_space<hbm>>) dst(%arg7 : memref<158x128xi32, #tpu.memory_space<vmem>>)
      tpu.yield
    }) : () -> ()
    "tpu.region"() ({
      %run_scoped3A_234 = tpu.sem_alloc : memref<!tpu.dma_semaphore, #tpu.memory_space<semaphore_mem>>
      %dma_start3A_235 = arith.constant 0 : i32
      %dma_start3A_236 = arith.constant 0 : i32
      %dma_start3A_237 = tpu.memref_slice %arg4[%arg1, %dma_start3A_235, %dma_start3A_236] : memref<16x158x128xi32, #tpu.memory_space<hbm>> -> memref<1x158x128xi32, #tpu.memory_space<hbm>>
      %dma_start3A_238 = tpu.memref_squeeze %dma_start3A_237 : memref<1x158x128xi32, #tpu.memory_space<hbm>> -> memref<158x128xi32, #tpu.memory_space<hbm>>
      %dma_start3A_239 = arith.constant 0 : i32
      %dma_start3A_240 = arith.constant 0 : i32
      %dma_start3A_241 = tpu.memref_slice %arg4[%arg1, %dma_start3A_239, %dma_start3A_240] : memref<16x158x128xi32, #tpu.memory_space<hbm>> -> memref<1x158x128xi32, #tpu.memory_space<hbm>>
      %dma_start3A_242 = tpu.memref_squeeze %dma_start3A_241 : memref<1x158x128xi32, #tpu.memory_space<hbm>> -> memref<158x128xi32, #tpu.memory_space<hbm>>
      tpu.enqueue_dma source(%dma_start3A_242 : memref<158x128xi32, #tpu.memory_space<hbm>>) target(%arg8 : memref<158x128xi32, #tpu.memory_space<vmem>>) target_semaphore(%run_scoped3A_234 : memref<!tpu.dma_semaphore, #tpu.memory_space<semaphore_mem>>)
      %dma_wait3A_243 = arith.constant 0 : i32
      %dma_wait3A_244 = arith.constant 0 : i32
      %dma_wait3A_245 = tpu.memref_slice %arg4[%arg1, %dma_wait3A_243, %dma_wait3A_244] : memref<16x158x128xi32, #tpu.memory_space<hbm>> -> memref<1x158x128xi32, #tpu.memory_space<hbm>>
      %dma_wait3A_246 = tpu.memref_squeeze %dma_wait3A_245 : memref<1x158x128xi32, #tpu.memory_space<hbm>> -> memref<158x128xi32, #tpu.memory_space<hbm>>
      %dma_wait3A_247 = arith.constant 0 : i32
      %dma_wait3A_248 = arith.constant 0 : i32
      %dma_wait3A_249 = tpu.memref_slice %arg4[%arg1, %dma_wait3A_247, %dma_wait3A_248] : memref<16x158x128xi32, #tpu.memory_space<hbm>> -> memref<1x158x128xi32, #tpu.memory_space<hbm>>
      %dma_wait3A_250 = tpu.memref_squeeze %dma_wait3A_249 : memref<1x158x128xi32, #tpu.memory_space<hbm>> -> memref<158x128xi32, #tpu.memory_space<hbm>>
      tpu.wait_dma2 semaphore(%run_scoped3A_234 : memref<!tpu.dma_semaphore, #tpu.memory_space<semaphore_mem>>) src(%dma_wait3A_250 : memref<158x128xi32, #tpu.memory_space<hbm>>) dst(%arg8 : memref<158x128xi32, #tpu.memory_space<vmem>>)
      tpu.yield
    }) : () -> ()
    "tpu.region"() ({
      %run_scoped3A_234 = tpu.sem_alloc : memref<!tpu.dma_semaphore, #tpu.memory_space<semaphore_mem>>
      tpu.enqueue_dma source(%arg5 : memref<128x64xf32, #tpu.memory_space<hbm>>) target(%arg11 : memref<128x64xf32, #tpu.memory_space<vmem>>) target_semaphore(%run_scoped3A_234 : memref<!tpu.dma_semaphore, #tpu.memory_space<semaphore_mem>>)
      tpu.wait_dma2 semaphore(%run_scoped3A_234 : memref<!tpu.dma_semaphore, #tpu.memory_space<semaphore_mem>>) src(%arg5 : memref<128x64xf32, #tpu.memory_space<hbm>>) dst(%arg11 : memref<128x64xf32, #tpu.memory_space<vmem>>)
      tpu.yield
    }) : () -> ()
    %mul3A = arith.constant 640 : i32
    %mul3A_0 = arith.muli %arg1, %mul3A : i32
    %add3A = arith.constant 0 : i32
    %add3A_1 = arith.addi %mul3A_0, %add3A : i32
    %dma_start3A = arith.constant 0 : i32
    %dma_start3A_2 = tpu.memref_slice %arg12[%add3A_1, %dma_start3A] : memref<10240x64xf32, #tpu.memory_space<vmem_shared>> -> memref<128x64xf32, #tpu.memory_space<vmem_shared>>
    %dma_start3A_3 = arith.constant 0 : i32
    %dma_start3A_4 = tpu.memref_slice %arg12[%add3A_1, %dma_start3A_3] : memref<10240x64xf32, #tpu.memory_space<vmem_shared>> -> memref<128x64xf32, #tpu.memory_space<vmem_shared>>
    tpu.enqueue_dma source(%arg11 : memref<128x64xf32, #tpu.memory_space<vmem>>) target(%dma_start3A_4 : memref<128x64xf32, #tpu.memory_space<vmem_shared>>) target_semaphore(%arg13 : memref<!tpu.dma_semaphore, #tpu.memory_space<semaphore_mem>>)
    %add3A_5 = arith.constant 128 : i32
    %add3A_6 = arith.addi %mul3A_0, %add3A_5 : i32
    %dma_start3A_7 = arith.constant 0 : i32
    %dma_start3A_8 = tpu.memref_slice %arg12[%add3A_6, %dma_start3A_7] : memref<10240x64xf32, #tpu.memory_space<vmem_shared>> -> memref<128x64xf32, #tpu.memory_space<vmem_shared>>
    %dma_start3A_9 = arith.constant 0 : i32
    %dma_start3A_10 = tpu.memref_slice %arg12[%add3A_6, %dma_start3A_9] : memref<10240x64xf32, #tpu.memory_space<vmem_shared>> -> memref<128x64xf32, #tpu.memory_space<vmem_shared>>
    tpu.enqueue_dma source(%arg11 : memref<128x64xf32, #tpu.memory_space<vmem>>) target(%dma_start3A_10 : memref<128x64xf32, #tpu.memory_space<vmem_shared>>) target_semaphore(%arg13 : memref<!tpu.dma_semaphore, #tpu.memory_space<semaphore_mem>>)
    %add3A_11 = arith.constant 256 : i32
    %add3A_12 = arith.addi %mul3A_0, %add3A_11 : i32
    %dma_start3A_13 = arith.constant 0 : i32
    %dma_start3A_14 = tpu.memref_slice %arg12[%add3A_12, %dma_start3A_13] : memref<10240x64xf32, #tpu.memory_space<vmem_shared>> -> memref<128x64xf32, #tpu.memory_space<vmem_shared>>
    %dma_start3A_15 = arith.constant 0 : i32
    %dma_start3A_16 = tpu.memref_slice %arg12[%add3A_12, %dma_start3A_15] : memref<10240x64xf32, #tpu.memory_space<vmem_shared>> -> memref<128x64xf32, #tpu.memory_space<vmem_shared>>
    tpu.enqueue_dma source(%arg11 : memref<128x64xf32, #tpu.memory_space<vmem>>) target(%dma_start3A_16 : memref<128x64xf32, #tpu.memory_space<vmem_shared>>) target_semaphore(%arg13 : memref<!tpu.dma_semaphore, #tpu.memory_space<semaphore_mem>>)
    %add3A_17 = arith.constant 384 : i32
    %add3A_18 = arith.addi %mul3A_0, %add3A_17 : i32
    %dma_start3A_19 = arith.constant 0 : i32
    %dma_start3A_20 = tpu.memref_slice %arg12[%add3A_18, %dma_start3A_19] : memref<10240x64xf32, #tpu.memory_space<vmem_shared>> -> memref<128x64xf32, #tpu.memory_space<vmem_shared>>
    %dma_start3A_21 = arith.constant 0 : i32
    %dma_start3A_22 = tpu.memref_slice %arg12[%add3A_18, %dma_start3A_21] : memref<10240x64xf32, #tpu.memory_space<vmem_shared>> -> memref<128x64xf32, #tpu.memory_space<vmem_shared>>
    tpu.enqueue_dma source(%arg11 : memref<128x64xf32, #tpu.memory_space<vmem>>) target(%dma_start3A_22 : memref<128x64xf32, #tpu.memory_space<vmem_shared>>) target_semaphore(%arg13 : memref<!tpu.dma_semaphore, #tpu.memory_space<semaphore_mem>>)
    %add3A_23 = arith.constant 512 : i32
    %add3A_24 = arith.addi %mul3A_0, %add3A_23 : i32
    %dma_start3A_25 = arith.constant 0 : i32
    %dma_start3A_26 = tpu.memref_slice %arg12[%add3A_24, %dma_start3A_25] : memref<10240x64xf32, #tpu.memory_space<vmem_shared>> -> memref<128x64xf32, #tpu.memory_space<vmem_shared>>
    %dma_start3A_27 = arith.constant 0 : i32
    %dma_start3A_28 = tpu.memref_slice %arg12[%add3A_24, %dma_start3A_27] : memref<10240x64xf32, #tpu.memory_space<vmem_shared>> -> memref<128x64xf32, #tpu.memory_space<vmem_shared>>
    tpu.enqueue_dma source(%arg11 : memref<128x64xf32, #tpu.memory_space<vmem>>) target(%dma_start3A_28 : memref<128x64xf32, #tpu.memory_space<vmem_shared>>) target_semaphore(%arg13 : memref<!tpu.dma_semaphore, #tpu.memory_space<semaphore_mem>>)
    %add3A_29 = arith.constant 0 : i32
    %add3A_30 = arith.addi %mul3A_0, %add3A_29 : i32
    %dma_wait3A = arith.constant 0 : i32
    %dma_wait3A_31 = tpu.memref_slice %arg12[%add3A_30, %dma_wait3A] : memref<10240x64xf32, #tpu.memory_space<vmem_shared>> -> memref<128x64xf32, #tpu.memory_space<vmem_shared>>
    %dma_wait3A_32 = arith.constant 0 : i32
    %dma_wait3A_33 = tpu.memref_slice %arg12[%add3A_30, %dma_wait3A_32] : memref<10240x64xf32, #tpu.memory_space<vmem_shared>> -> memref<128x64xf32, #tpu.memory_space<vmem_shared>>
    tpu.wait_dma2 semaphore(%arg13 : memref<!tpu.dma_semaphore, #tpu.memory_space<semaphore_mem>>) src(%arg11 : memref<128x64xf32, #tpu.memory_space<vmem>>) dst(%dma_wait3A_33 : memref<128x64xf32, #tpu.memory_space<vmem_shared>>)
    %add3A_34 = arith.constant 128 : i32
    %add3A_35 = arith.addi %mul3A_0, %add3A_34 : i32
    %dma_wait3A_36 = arith.constant 0 : i32
    %dma_wait3A_37 = tpu.memref_slice %arg12[%add3A_35, %dma_wait3A_36] : memref<10240x64xf32, #tpu.memory_space<vmem_shared>> -> memref<128x64xf32, #tpu.memory_space<vmem_shared>>
    %dma_wait3A_38 = arith.constant 0 : i32
    %dma_wait3A_39 = tpu.memref_slice %arg12[%add3A_35, %dma_wait3A_38] : memref<10240x64xf32, #tpu.memory_space<vmem_shared>> -> memref<128x64xf32, #tpu.memory_space<vmem_shared>>
    tpu.wait_dma2 semaphore(%arg13 : memref<!tpu.dma_semaphore, #tpu.memory_space<semaphore_mem>>) src(%arg11 : memref<128x64xf32, #tpu.memory_space<vmem>>) dst(%dma_wait3A_39 : memref<128x64xf32, #tpu.memory_space<vmem_shared>>)
    %add3A_40 = arith.constant 256 : i32
    %add3A_41 = arith.addi %mul3A_0, %add3A_40 : i32
    %dma_wait3A_42 = arith.constant 0 : i32
    %dma_wait3A_43 = tpu.memref_slice %arg12[%add3A_41, %dma_wait3A_42] : memref<10240x64xf32, #tpu.memory_space<vmem_shared>> -> memref<128x64xf32, #tpu.memory_space<vmem_shared>>
    %dma_wait3A_44 = arith.constant 0 : i32
    %dma_wait3A_45 = tpu.memref_slice %arg12[%add3A_41, %dma_wait3A_44] : memref<10240x64xf32, #tpu.memory_space<vmem_shared>> -> memref<128x64xf32, #tpu.memory_space<vmem_shared>>
    tpu.wait_dma2 semaphore(%arg13 : memref<!tpu.dma_semaphore, #tpu.memory_space<semaphore_mem>>) src(%arg11 : memref<128x64xf32, #tpu.memory_space<vmem>>) dst(%dma_wait3A_45 : memref<128x64xf32, #tpu.memory_space<vmem_shared>>)
    %add3A_46 = arith.constant 384 : i32
    %add3A_47 = arith.addi %mul3A_0, %add3A_46 : i32
    %dma_wait3A_48 = arith.constant 0 : i32
    %dma_wait3A_49 = tpu.memref_slice %arg12[%add3A_47, %dma_wait3A_48] : memref<10240x64xf32, #tpu.memory_space<vmem_shared>> -> memref<128x64xf32, #tpu.memory_space<vmem_shared>>
    %dma_wait3A_50 = arith.constant 0 : i32
    %dma_wait3A_51 = tpu.memref_slice %arg12[%add3A_47, %dma_wait3A_50] : memref<10240x64xf32, #tpu.memory_space<vmem_shared>> -> memref<128x64xf32, #tpu.memory_space<vmem_shared>>
    tpu.wait_dma2 semaphore(%arg13 : memref<!tpu.dma_semaphore, #tpu.memory_space<semaphore_mem>>) src(%arg11 : memref<128x64xf32, #tpu.memory_space<vmem>>) dst(%dma_wait3A_51 : memref<128x64xf32, #tpu.memory_space<vmem_shared>>)
    %add3A_52 = arith.constant 512 : i32
    %add3A_53 = arith.addi %mul3A_0, %add3A_52 : i32
    %dma_wait3A_54 = arith.constant 0 : i32
    %dma_wait3A_55 = tpu.memref_slice %arg12[%add3A_53, %dma_wait3A_54] : memref<10240x64xf32, #tpu.memory_space<vmem_shared>> -> memref<128x64xf32, #tpu.memory_space<vmem_shared>>
    %dma_wait3A_56 = arith.constant 0 : i32
    %dma_wait3A_57 = tpu.memref_slice %arg12[%add3A_53, %dma_wait3A_56] : memref<10240x64xf32, #tpu.memory_space<vmem_shared>> -> memref<128x64xf32, #tpu.memory_space<vmem_shared>>
    tpu.wait_dma2 semaphore(%arg13 : memref<!tpu.dma_semaphore, #tpu.memory_space<semaphore_mem>>) src(%arg11 : memref<128x64xf32, #tpu.memory_space<vmem>>) dst(%dma_wait3A_57 : memref<128x64xf32, #tpu.memory_space<vmem_shared>>)
    %barrier3A = arith.constant 0 : index
    tpu.barrier barrier_id(%barrier3A)
    %dma_start3A_58 = arith.constant 0 : i32
    %dma_start3A_59 = arith.constant 0 : i32
    %dma_start3A_60 = tpu.memref_slice %arg7[%dma_start3A_58, %dma_start3A_59] : memref<158x128xi32, #tpu.memory_space<vmem>> -> memref<1x128xi32, #tpu.memory_space<vmem>>
    %dma_start3A_61 = tpu.memref_squeeze %dma_start3A_60 : memref<1x128xi32, #tpu.memory_space<vmem>> -> memref<128xi32, #tpu.memory_space<vmem>>
    %dma_start3A_62 = arith.constant 0 : i32
    %dma_start3A_63 = arith.constant 0 : i32
    %dma_start3A_64 = tpu.memref_slice %arg2[%dma_start3A_62, %dma_start3A_63] : memref<20000x64xf32, #tpu.memory_space<hbm>> -> memref<20000x64xf32, #tpu.memory_space<hbm>>
    tpu.enqueue_indirect_dma source(%dma_start3A_64 : memref<20000x64xf32, #tpu.memory_space<hbm>>) target(%arg9 : memref<128x64xf32, #tpu.memory_space<vmem>>) offsets(%dma_start3A_61 : memref<128xi32, #tpu.memory_space<vmem>>) semaphore(%arg13 : memref<!tpu.dma_semaphore, #tpu.memory_space<semaphore_mem>>)
    %scan3A = arith.constant 0 : i32
    %scan3A_65 = arith.constant 0 : i32
    %scan3A_66 = arith.constant 78 : i32
    %scan3A_67 = arith.addi %scan3A_65, %scan3A_66 : i32
    %scan3A_68 = arith.constant 1 : i32
    %scan3A_69 = scf.for %scan3A_234 = %scan3A_65 to %scan3A_67 step %scan3A_68 iter_args(%scan3A_235 = %scan3A) -> (i32)  : i32 {
      %mul3A_236 = arith.constant 2 : i32
      %mul3A_237 = arith.muli %scan3A_234, %mul3A_236 : i32
      %add3A_238 = arith.constant 1 : i32
      %add3A_239 = arith.addi %mul3A_237, %add3A_238 : i32
      %dma_start3A_240 = arith.constant 0 : i32
      %dma_start3A_241 = tpu.memref_slice %arg7[%add3A_239, %dma_start3A_240] : memref<158x128xi32, #tpu.memory_space<vmem>> -> memref<1x128xi32, #tpu.memory_space<vmem>>
      %dma_start3A_242 = tpu.memref_squeeze %dma_start3A_241 : memref<1x128xi32, #tpu.memory_space<vmem>> -> memref<128xi32, #tpu.memory_space<vmem>>
      %dma_start3A_243 = arith.constant 0 : i32
      %dma_start3A_244 = arith.constant 0 : i32
      %dma_start3A_245 = tpu.memref_slice %arg2[%dma_start3A_243, %dma_start3A_244] : memref<20000x64xf32, #tpu.memory_space<hbm>> -> memref<20000x64xf32, #tpu.memory_space<hbm>>
      tpu.enqueue_indirect_dma source(%dma_start3A_245 : memref<20000x64xf32, #tpu.memory_space<hbm>>) target(%arg10 : memref<128x64xf32, #tpu.memory_space<vmem>>) offsets(%dma_start3A_242 : memref<128xi32, #tpu.memory_space<vmem>>) semaphore(%arg14 : memref<!tpu.dma_semaphore, #tpu.memory_space<semaphore_mem>>)
      %dma_wait3A_246 = arith.constant 0 : i32
      %dma_wait3A_247 = tpu.memref_slice %arg7[%mul3A_237, %dma_wait3A_246] : memref<158x128xi32, #tpu.memory_space<vmem>> -> memref<1x128xi32, #tpu.memory_space<vmem>>
      %dma_wait3A_248 = tpu.memref_squeeze %dma_wait3A_247 : memref<1x128xi32, #tpu.memory_space<vmem>> -> memref<128xi32, #tpu.memory_space<vmem>>
      %dma_wait3A_249 = arith.constant 0 : i32
      %dma_wait3A_250 = arith.constant 0 : i32
      %dma_wait3A_251 = tpu.memref_slice %arg2[%dma_wait3A_249, %dma_wait3A_250] : memref<20000x64xf32, #tpu.memory_space<hbm>> -> memref<20000x64xf32, #tpu.memory_space<hbm>>
      tpu.wait_indirect_dma semaphore(%arg13 : memref<!tpu.dma_semaphore, #tpu.memory_space<semaphore_mem>>) src(%dma_wait3A_251 : memref<20000x64xf32, #tpu.memory_space<hbm>>) dst(%arg9 : memref<128x64xf32, #tpu.memory_space<vmem>>)
      "tpu.region"() ({
        %run_scoped3A_271 = tpu.sem_alloc : memref<!tpu.dma_semaphore, #tpu.memory_space<semaphore_mem>>
        %dma_start3A_272 = arith.constant 0 : i32
        %dma_start3A_273 = tpu.memref_slice %arg8[%mul3A_237, %dma_start3A_272] : memref<158x128xi32, #tpu.memory_space<vmem>> -> memref<1x128xi32, #tpu.memory_space<vmem>>
        %dma_start3A_274 = tpu.memref_squeeze %dma_start3A_273 : memref<1x128xi32, #tpu.memory_space<vmem>> -> memref<128xi32, #tpu.memory_space<vmem>>
        %dma_start3A_275 = arith.constant 0 : i32
        %dma_start3A_276 = arith.constant 0 : i32
        %dma_start3A_277 = tpu.memref_slice %arg12[%dma_start3A_275, %dma_start3A_276] : memref<10240x64xf32, #tpu.memory_space<vmem_shared>> -> memref<10240x64xf32, #tpu.memory_space<vmem_shared>>
        tpu.enqueue_indirect_dma source(%arg9 : memref<128x64xf32, #tpu.memory_space<vmem>>) target(%dma_start3A_277 : memref<10240x64xf32, #tpu.memory_space<vmem_shared>>) offsets(%dma_start3A_274 : memref<128xi32, #tpu.memory_space<vmem>>) semaphore(%run_scoped3A_271 : memref<!tpu.dma_semaphore, #tpu.memory_space<semaphore_mem>>) {add = true}
        %dma_wait3A_278 = arith.constant 0 : i32
        %dma_wait3A_279 = tpu.memref_slice %arg8[%mul3A_237, %dma_wait3A_278] : memref<158x128xi32, #tpu.memory_space<vmem>> -> memref<1x128xi32, #tpu.memory_space<vmem>>
        %dma_wait3A_280 = tpu.memref_squeeze %dma_wait3A_279 : memref<1x128xi32, #tpu.memory_space<vmem>> -> memref<128xi32, #tpu.memory_space<vmem>>
        %dma_wait3A_281 = arith.constant 0 : i32
        %dma_wait3A_282 = arith.constant 0 : i32
        %dma_wait3A_283 = tpu.memref_slice %arg12[%dma_wait3A_281, %dma_wait3A_282] : memref<10240x64xf32, #tpu.memory_space<vmem_shared>> -> memref<10240x64xf32, #tpu.memory_space<vmem_shared>>
        tpu.wait_indirect_dma semaphore(%run_scoped3A_271 : memref<!tpu.dma_semaphore, #tpu.memory_space<semaphore_mem>>) src(%arg9 : memref<128x64xf32, #tpu.memory_space<vmem>>) dst(%dma_wait3A_283 : memref<10240x64xf32, #tpu.memory_space<vmem_shared>>)
        tpu.yield
      }) : () -> ()
      %add3A_252 = arith.constant 2 : i32
      %add3A_253 = arith.addi %mul3A_237, %add3A_252 : i32
      %dma_start3A_254 = arith.constant 0 : i32
      %dma_start3A_255 = tpu.memref_slice %arg7[%add3A_253, %dma_start3A_254] : memref<158x128xi32, #tpu.memory_space<vmem>> -> memref<1x128xi32, #tpu.memory_space<vmem>>
      %dma_start3A_256 = tpu.memref_squeeze %dma_start3A_255 : memref<1x128xi32, #tpu.memory_space<vmem>> -> memref<128xi32, #tpu.memory_space<vmem>>
      %dma_start3A_257 = arith.constant 0 : i32
      %dma_start3A_258 = arith.constant 0 : i32
      %dma_start3A_259 = tpu.memref_slice %arg2[%dma_start3A_257, %dma_start3A_258] : memref<20000x64xf32, #tpu.memory_space<hbm>> -> memref<20000x64xf32, #tpu.memory_space<hbm>>
      tpu.enqueue_indirect_dma source(%dma_start3A_259 : memref<20000x64xf32, #tpu.memory_space<hbm>>) target(%arg9 : memref<128x64xf32, #tpu.memory_space<vmem>>) offsets(%dma_start3A_256 : memref<128xi32, #tpu.memory_space<vmem>>) semaphore(%arg13 : memref<!tpu.dma_semaphore, #tpu.memory_space<semaphore_mem>>)
      %add3A_260 = arith.constant 1 : i32
      %add3A_261 = arith.addi %mul3A_237, %add3A_260 : i32
      %dma_wait3A_262 = arith.constant 0 : i32
      %dma_wait3A_263 = tpu.memref_slice %arg7[%add3A_261, %dma_wait3A_262] : memref<158x128xi32, #tpu.memory_space<vmem>> -> memref<1x128xi32, #tpu.memory_space<vmem>>
      %dma_wait3A_264 = tpu.memref_squeeze %dma_wait3A_263 : memref<1x128xi32, #tpu.memory_space<vmem>> -> memref<128xi32, #tpu.memory_space<vmem>>
      %dma_wait3A_265 = arith.constant 0 : i32
      %dma_wait3A_266 = arith.constant 0 : i32
      %dma_wait3A_267 = tpu.memref_slice %arg2[%dma_wait3A_265, %dma_wait3A_266] : memref<20000x64xf32, #tpu.memory_space<hbm>> -> memref<20000x64xf32, #tpu.memory_space<hbm>>
      tpu.wait_indirect_dma semaphore(%arg14 : memref<!tpu.dma_semaphore, #tpu.memory_space<semaphore_mem>>) src(%dma_wait3A_267 : memref<20000x64xf32, #tpu.memory_space<hbm>>) dst(%arg10 : memref<128x64xf32, #tpu.memory_space<vmem>>)
      %add3A_268 = arith.constant 1 : i32
      %add3A_269 = arith.addi %mul3A_237, %add3A_268 : i32
      "tpu.region"() ({
        %run_scoped3A_271 = tpu.sem_alloc : memref<!tpu.dma_semaphore, #tpu.memory_space<semaphore_mem>>
        %dma_start3A_272 = arith.constant 0 : i32
        %dma_start3A_273 = tpu.memref_slice %arg8[%add3A_269, %dma_start3A_272] : memref<158x128xi32, #tpu.memory_space<vmem>> -> memref<1x128xi32, #tpu.memory_space<vmem>>
        %dma_start3A_274 = tpu.memref_squeeze %dma_start3A_273 : memref<1x128xi32, #tpu.memory_space<vmem>> -> memref<128xi32, #tpu.memory_space<vmem>>
        %dma_start3A_275 = arith.constant 0 : i32
        %dma_start3A_276 = arith.constant 0 : i32
        %dma_start3A_277 = tpu.memref_slice %arg12[%dma_start3A_275, %dma_start3A_276] : memref<10240x64xf32, #tpu.memory_space<vmem_shared>> -> memref<10240x64xf32, #tpu.memory_space<vmem_shared>>
        tpu.enqueue_indirect_dma source(%arg10 : memref<128x64xf32, #tpu.memory_space<vmem>>) target(%dma_start3A_277 : memref<10240x64xf32, #tpu.memory_space<vmem_shared>>) offsets(%dma_start3A_274 : memref<128xi32, #tpu.memory_space<vmem>>) semaphore(%run_scoped3A_271 : memref<!tpu.dma_semaphore, #tpu.memory_space<semaphore_mem>>) {add = true}
        %dma_wait3A_278 = arith.constant 0 : i32
        %dma_wait3A_279 = tpu.memref_slice %arg8[%add3A_269, %dma_wait3A_278] : memref<158x128xi32, #tpu.memory_space<vmem>> -> memref<1x128xi32, #tpu.memory_space<vmem>>
        %dma_wait3A_280 = tpu.memref_squeeze %dma_wait3A_279 : memref<1x128xi32, #tpu.memory_space<vmem>> -> memref<128xi32, #tpu.memory_space<vmem>>
        %dma_wait3A_281 = arith.constant 0 : i32
        %dma_wait3A_282 = arith.constant 0 : i32
        %dma_wait3A_283 = tpu.memref_slice %arg12[%dma_wait3A_281, %dma_wait3A_282] : memref<10240x64xf32, #tpu.memory_space<vmem_shared>> -> memref<10240x64xf32, #tpu.memory_space<vmem_shared>>
        tpu.wait_indirect_dma semaphore(%run_scoped3A_271 : memref<!tpu.dma_semaphore, #tpu.memory_space<semaphore_mem>>) src(%arg10 : memref<128x64xf32, #tpu.memory_space<vmem>>) dst(%dma_wait3A_283 : memref<10240x64xf32, #tpu.memory_space<vmem_shared>>)
        tpu.yield
      }) : () -> ()
      %scan3A_270 = arith.constant 0 : i32
      scf.yield %scan3A_270 : i32
    }
    %scan3A_70 = arith.constant 78 : i32
    %dma_start3A_71 = arith.constant 157 : i32
    %dma_start3A_72 = arith.constant 0 : i32
    %dma_start3A_73 = tpu.memref_slice %arg7[%dma_start3A_71, %dma_start3A_72] : memref<158x128xi32, #tpu.memory_space<vmem>> -> memref<1x128xi32, #tpu.memory_space<vmem>>
    %dma_start3A_74 = tpu.memref_squeeze %dma_start3A_73 : memref<1x128xi32, #tpu.memory_space<vmem>> -> memref<128xi32, #tpu.memory_space<vmem>>
    %dma_start3A_75 = arith.constant 0 : i32
    %dma_start3A_76 = arith.constant 0 : i32
    %dma_start3A_77 = tpu.memref_slice %arg2[%dma_start3A_75, %dma_start3A_76] : memref<20000x64xf32, #tpu.memory_space<hbm>> -> memref<20000x64xf32, #tpu.memory_space<hbm>>
    tpu.enqueue_indirect_dma source(%dma_start3A_77 : memref<20000x64xf32, #tpu.memory_space<hbm>>) target(%arg10 : memref<128x64xf32, #tpu.memory_space<vmem>>) offsets(%dma_start3A_74 : memref<128xi32, #tpu.memory_space<vmem>>) semaphore(%arg14 : memref<!tpu.dma_semaphore, #tpu.memory_space<semaphore_mem>>)
    %dma_wait3A_78 = arith.constant 156 : i32
    %dma_wait3A_79 = arith.constant 0 : i32
    %dma_wait3A_80 = tpu.memref_slice %arg7[%dma_wait3A_78, %dma_wait3A_79] : memref<158x128xi32, #tpu.memory_space<vmem>> -> memref<1x128xi32, #tpu.memory_space<vmem>>
    %dma_wait3A_81 = tpu.memref_squeeze %dma_wait3A_80 : memref<1x128xi32, #tpu.memory_space<vmem>> -> memref<128xi32, #tpu.memory_space<vmem>>
    %dma_wait3A_82 = arith.constant 0 : i32
    %dma_wait3A_83 = arith.constant 0 : i32
    %dma_wait3A_84 = tpu.memref_slice %arg2[%dma_wait3A_82, %dma_wait3A_83] : memref<20000x64xf32, #tpu.memory_space<hbm>> -> memref<20000x64xf32, #tpu.memory_space<hbm>>
    tpu.wait_indirect_dma semaphore(%arg13 : memref<!tpu.dma_semaphore, #tpu.memory_space<semaphore_mem>>) src(%dma_wait3A_84 : memref<20000x64xf32, #tpu.memory_space<hbm>>) dst(%arg9 : memref<128x64xf32, #tpu.memory_space<vmem>>)
    %run_scoped3A = arith.constant 156 : i32
    "tpu.region"() ({
      %run_scoped3A_234 = tpu.sem_alloc : memref<!tpu.dma_semaphore, #tpu.memory_space<semaphore_mem>>
      %dma_start3A_235 = arith.constant 0 : i32
      %dma_start3A_236 = tpu.memref_slice %arg8[%run_scoped3A, %dma_start3A_235] : memref<158x128xi32, #tpu.memory_space<vmem>> -> memref<1x128xi32, #tpu.memory_space<vmem>>
      %dma_start3A_237 = tpu.memref_squeeze %dma_start3A_236 : memref<1x128xi32, #tpu.memory_space<vmem>> -> memref<128xi32, #tpu.memory_space<vmem>>
      %dma_start3A_238 = arith.constant 0 : i32
      %dma_start3A_239 = arith.constant 0 : i32
      %dma_start3A_240 = tpu.memref_slice %arg12[%dma_start3A_238, %dma_start3A_239] : memref<10240x64xf32, #tpu.memory_space<vmem_shared>> -> memref<10240x64xf32, #tpu.memory_space<vmem_shared>>
      tpu.enqueue_indirect_dma source(%arg9 : memref<128x64xf32, #tpu.memory_space<vmem>>) target(%dma_start3A_240 : memref<10240x64xf32, #tpu.memory_space<vmem_shared>>) offsets(%dma_start3A_237 : memref<128xi32, #tpu.memory_space<vmem>>) semaphore(%run_scoped3A_234 : memref<!tpu.dma_semaphore, #tpu.memory_space<semaphore_mem>>) {add = true}
      %dma_wait3A_241 = arith.constant 0 : i32
      %dma_wait3A_242 = tpu.memref_slice %arg8[%run_scoped3A, %dma_wait3A_241] : memref<158x128xi32, #tpu.memory_space<vmem>> -> memref<1x128xi32, #tpu.memory_space<vmem>>
      %dma_wait3A_243 = tpu.memref_squeeze %dma_wait3A_242 : memref<1x128xi32, #tpu.memory_space<vmem>> -> memref<128xi32, #tpu.memory_space<vmem>>
      %dma_wait3A_244 = arith.constant 0 : i32
      %dma_wait3A_245 = arith.constant 0 : i32
      %dma_wait3A_246 = tpu.memref_slice %arg12[%dma_wait3A_244, %dma_wait3A_245] : memref<10240x64xf32, #tpu.memory_space<vmem_shared>> -> memref<10240x64xf32, #tpu.memory_space<vmem_shared>>
      tpu.wait_indirect_dma semaphore(%run_scoped3A_234 : memref<!tpu.dma_semaphore, #tpu.memory_space<semaphore_mem>>) src(%arg9 : memref<128x64xf32, #tpu.memory_space<vmem>>) dst(%dma_wait3A_246 : memref<10240x64xf32, #tpu.memory_space<vmem_shared>>)
      tpu.yield
    }) : () -> ()
    %dma_wait3A_85 = arith.constant 157 : i32
    %dma_wait3A_86 = arith.constant 0 : i32
    %dma_wait3A_87 = tpu.memref_slice %arg7[%dma_wait3A_85, %dma_wait3A_86] : memref<158x128xi32, #tpu.memory_space<vmem>> -> memref<1x128xi32, #tpu.memory_space<vmem>>
    %dma_wait3A_88 = tpu.memref_squeeze %dma_wait3A_87 : memref<1x128xi32, #tpu.memory_space<vmem>> -> memref<128xi32, #tpu.memory_space<vmem>>
    %dma_wait3A_89 = arith.constant 0 : i32
    %dma_wait3A_90 = arith.constant 0 : i32
    %dma_wait3A_91 = tpu.memref_slice %arg2[%dma_wait3A_89, %dma_wait3A_90] : memref<20000x64xf32, #tpu.memory_space<hbm>> -> memref<20000x64xf32, #tpu.memory_space<hbm>>
    tpu.wait_indirect_dma semaphore(%arg14 : memref<!tpu.dma_semaphore, #tpu.memory_space<semaphore_mem>>) src(%dma_wait3A_91 : memref<20000x64xf32, #tpu.memory_space<hbm>>) dst(%arg10 : memref<128x64xf32, #tpu.memory_space<vmem>>)
    %run_scoped3A_92 = arith.constant 157 : i32
    "tpu.region"() ({
      %run_scoped3A_234 = tpu.sem_alloc : memref<!tpu.dma_semaphore, #tpu.memory_space<semaphore_mem>>
      %dma_start3A_235 = arith.constant 0 : i32
      %dma_start3A_236 = tpu.memref_slice %arg8[%run_scoped3A_92, %dma_start3A_235] : memref<158x128xi32, #tpu.memory_space<vmem>> -> memref<1x128xi32, #tpu.memory_space<vmem>>
      %dma_start3A_237 = tpu.memref_squeeze %dma_start3A_236 : memref<1x128xi32, #tpu.memory_space<vmem>> -> memref<128xi32, #tpu.memory_space<vmem>>
      %dma_start3A_238 = arith.constant 0 : i32
      %dma_start3A_239 = arith.constant 0 : i32
      %dma_start3A_240 = tpu.memref_slice %arg12[%dma_start3A_238, %dma_start3A_239] : memref<10240x64xf32, #tpu.memory_space<vmem_shared>> -> memref<10240x64xf32, #tpu.memory_space<vmem_shared>>
      tpu.enqueue_indirect_dma source(%arg10 : memref<128x64xf32, #tpu.memory_space<vmem>>) target(%dma_start3A_240 : memref<10240x64xf32, #tpu.memory_space<vmem_shared>>) offsets(%dma_start3A_237 : memref<128xi32, #tpu.memory_space<vmem>>) semaphore(%run_scoped3A_234 : memref<!tpu.dma_semaphore, #tpu.memory_space<semaphore_mem>>) {add = true}
      %dma_wait3A_241 = arith.constant 0 : i32
      %dma_wait3A_242 = tpu.memref_slice %arg8[%run_scoped3A_92, %dma_wait3A_241] : memref<158x128xi32, #tpu.memory_space<vmem>> -> memref<1x128xi32, #tpu.memory_space<vmem>>
      %dma_wait3A_243 = tpu.memref_squeeze %dma_wait3A_242 : memref<1x128xi32, #tpu.memory_space<vmem>> -> memref<128xi32, #tpu.memory_space<vmem>>
      %dma_wait3A_244 = arith.constant 0 : i32
      %dma_wait3A_245 = arith.constant 0 : i32
      %dma_wait3A_246 = tpu.memref_slice %arg12[%dma_wait3A_244, %dma_wait3A_245] : memref<10240x64xf32, #tpu.memory_space<vmem_shared>> -> memref<10240x64xf32, #tpu.memory_space<vmem_shared>>
      tpu.wait_indirect_dma semaphore(%run_scoped3A_234 : memref<!tpu.dma_semaphore, #tpu.memory_space<semaphore_mem>>) src(%arg10 : memref<128x64xf32, #tpu.memory_space<vmem>>) dst(%dma_wait3A_246 : memref<10240x64xf32, #tpu.memory_space<vmem_shared>>)
      tpu.yield
    }) : () -> ()
    %barrier3A_93 = arith.constant 0 : index
    tpu.barrier barrier_id(%barrier3A_93)
    %add3A_94 = arith.constant 0 : i32
    %add3A_95 = arith.addi %mul3A_0, %add3A_94 : i32
    %dma_start3A_96 = arith.constant 0 : i32
    %dma_start3A_97 = tpu.memref_slice %arg12[%add3A_95, %dma_start3A_96] : memref<10240x64xf32, #tpu.memory_space<vmem_shared>> -> memref<128x64xf32, #tpu.memory_space<vmem_shared>>
    %dma_start3A_98 = arith.constant 0 : i32
    %dma_start3A_99 = tpu.memref_slice %arg12[%add3A_95, %dma_start3A_98] : memref<10240x64xf32, #tpu.memory_space<vmem_shared>> -> memref<128x64xf32, #tpu.memory_space<vmem_shared>>
    tpu.enqueue_dma source(%dma_start3A_99 : memref<128x64xf32, #tpu.memory_space<vmem_shared>>) target(%arg9 : memref<128x64xf32, #tpu.memory_space<vmem>>) target_semaphore(%arg13 : memref<!tpu.dma_semaphore, #tpu.memory_space<semaphore_mem>>)
    %add3A_100 = arith.constant 0 : i32
    %add3A_101 = arith.addi %mul3A_0, %add3A_100 : i32
    %dma_wait3A_102 = arith.constant 0 : i32
    %dma_wait3A_103 = tpu.memref_slice %arg12[%add3A_101, %dma_wait3A_102] : memref<10240x64xf32, #tpu.memory_space<vmem_shared>> -> memref<128x64xf32, #tpu.memory_space<vmem_shared>>
    %dma_wait3A_104 = arith.constant 0 : i32
    %dma_wait3A_105 = tpu.memref_slice %arg12[%add3A_101, %dma_wait3A_104] : memref<10240x64xf32, #tpu.memory_space<vmem_shared>> -> memref<128x64xf32, #tpu.memory_space<vmem_shared>>
    tpu.wait_dma2 semaphore(%arg13 : memref<!tpu.dma_semaphore, #tpu.memory_space<semaphore_mem>>) src(%dma_wait3A_105 : memref<128x64xf32, #tpu.memory_space<vmem_shared>>) dst(%arg9 : memref<128x64xf32, #tpu.memory_space<vmem>>)
    %add3A_106 = arith.constant 0 : i32
    %add3A_107 = arith.addi %mul3A_0, %add3A_106 : i32
    %dma_start3A_108 = arith.constant 0 : i32
    %dma_start3A_109 = tpu.memref_slice %arg6[%arg0, %add3A_107, %dma_start3A_108] : memref<2x10240x64xf32, #tpu.memory_space<hbm>> -> memref<1x128x64xf32, #tpu.memory_space<hbm>>
    %dma_start3A_110 = tpu.memref_squeeze %dma_start3A_109 : memref<1x128x64xf32, #tpu.memory_space<hbm>> -> memref<128x64xf32, #tpu.memory_space<hbm>>
    %dma_start3A_111 = arith.constant 0 : i32
    %dma_start3A_112 = tpu.memref_slice %arg6[%arg0, %add3A_107, %dma_start3A_111] : memref<2x10240x64xf32, #tpu.memory_space<hbm>> -> memref<1x128x64xf32, #tpu.memory_space<hbm>>
    %dma_start3A_113 = tpu.memref_squeeze %dma_start3A_112 : memref<1x128x64xf32, #tpu.memory_space<hbm>> -> memref<128x64xf32, #tpu.memory_space<hbm>>
    tpu.enqueue_dma source(%arg9 : memref<128x64xf32, #tpu.memory_space<vmem>>) target(%dma_start3A_113 : memref<128x64xf32, #tpu.memory_space<hbm>>) target_semaphore(%arg13 : memref<!tpu.dma_semaphore, #tpu.memory_space<semaphore_mem>>)
    %add3A_114 = arith.constant 128 : i32
    %add3A_115 = arith.addi %mul3A_0, %add3A_114 : i32
    %dma_start3A_116 = arith.constant 0 : i32
    %dma_start3A_117 = tpu.memref_slice %arg12[%add3A_115, %dma_start3A_116] : memref<10240x64xf32, #tpu.memory_space<vmem_shared>> -> memref<128x64xf32, #tpu.memory_space<vmem_shared>>
    %dma_start3A_118 = arith.constant 0 : i32
    %dma_start3A_119 = tpu.memref_slice %arg12[%add3A_115, %dma_start3A_118] : memref<10240x64xf32, #tpu.memory_space<vmem_shared>> -> memref<128x64xf32, #tpu.memory_space<vmem_shared>>
    tpu.enqueue_dma source(%dma_start3A_119 : memref<128x64xf32, #tpu.memory_space<vmem_shared>>) target(%arg10 : memref<128x64xf32, #tpu.memory_space<vmem>>) target_semaphore(%arg14 : memref<!tpu.dma_semaphore, #tpu.memory_space<semaphore_mem>>)
    %add3A_120 = arith.constant 128 : i32
    %add3A_121 = arith.addi %mul3A_0, %add3A_120 : i32
    %dma_wait3A_122 = arith.constant 0 : i32
    %dma_wait3A_123 = tpu.memref_slice %arg12[%add3A_121, %dma_wait3A_122] : memref<10240x64xf32, #tpu.memory_space<vmem_shared>> -> memref<128x64xf32, #tpu.memory_space<vmem_shared>>
    %dma_wait3A_124 = arith.constant 0 : i32
    %dma_wait3A_125 = tpu.memref_slice %arg12[%add3A_121, %dma_wait3A_124] : memref<10240x64xf32, #tpu.memory_space<vmem_shared>> -> memref<128x64xf32, #tpu.memory_space<vmem_shared>>
    tpu.wait_dma2 semaphore(%arg14 : memref<!tpu.dma_semaphore, #tpu.memory_space<semaphore_mem>>) src(%dma_wait3A_125 : memref<128x64xf32, #tpu.memory_space<vmem_shared>>) dst(%arg10 : memref<128x64xf32, #tpu.memory_space<vmem>>)
    %add3A_126 = arith.constant 128 : i32
    %add3A_127 = arith.addi %mul3A_0, %add3A_126 : i32
    %dma_start3A_128 = arith.constant 0 : i32
    %dma_start3A_129 = tpu.memref_slice %arg6[%arg0, %add3A_127, %dma_start3A_128] : memref<2x10240x64xf32, #tpu.memory_space<hbm>> -> memref<1x128x64xf32, #tpu.memory_space<hbm>>
    %dma_start3A_130 = tpu.memref_squeeze %dma_start3A_129 : memref<1x128x64xf32, #tpu.memory_space<hbm>> -> memref<128x64xf32, #tpu.memory_space<hbm>>
    %dma_start3A_131 = arith.constant 0 : i32
    %dma_start3A_132 = tpu.memref_slice %arg6[%arg0, %add3A_127, %dma_start3A_131] : memref<2x10240x64xf32, #tpu.memory_space<hbm>> -> memref<1x128x64xf32, #tpu.memory_space<hbm>>
    %dma_start3A_133 = tpu.memref_squeeze %dma_start3A_132 : memref<1x128x64xf32, #tpu.memory_space<hbm>> -> memref<128x64xf32, #tpu.memory_space<hbm>>
    tpu.enqueue_dma source(%arg10 : memref<128x64xf32, #tpu.memory_space<vmem>>) target(%dma_start3A_133 : memref<128x64xf32, #tpu.memory_space<hbm>>) target_semaphore(%arg14 : memref<!tpu.dma_semaphore, #tpu.memory_space<semaphore_mem>>)
    %add3A_134 = arith.constant 0 : i32
    %add3A_135 = arith.addi %mul3A_0, %add3A_134 : i32
    %dma_wait3A_136 = arith.constant 0 : i32
    %dma_wait3A_137 = tpu.memref_slice %arg6[%arg0, %add3A_135, %dma_wait3A_136] : memref<2x10240x64xf32, #tpu.memory_space<hbm>> -> memref<1x128x64xf32, #tpu.memory_space<hbm>>
    %dma_wait3A_138 = tpu.memref_squeeze %dma_wait3A_137 : memref<1x128x64xf32, #tpu.memory_space<hbm>> -> memref<128x64xf32, #tpu.memory_space<hbm>>
    %dma_wait3A_139 = arith.constant 0 : i32
    %dma_wait3A_140 = tpu.memref_slice %arg6[%arg0, %add3A_135, %dma_wait3A_139] : memref<2x10240x64xf32, #tpu.memory_space<hbm>> -> memref<1x128x64xf32, #tpu.memory_space<hbm>>
    %dma_wait3A_141 = tpu.memref_squeeze %dma_wait3A_140 : memref<1x128x64xf32, #tpu.memory_space<hbm>> -> memref<128x64xf32, #tpu.memory_space<hbm>>
    tpu.wait_dma2 semaphore(%arg13 : memref<!tpu.dma_semaphore, #tpu.memory_space<semaphore_mem>>) src(%arg9 : memref<128x64xf32, #tpu.memory_space<vmem>>) dst(%dma_wait3A_141 : memref<128x64xf32, #tpu.memory_space<hbm>>)
    %add3A_142 = arith.constant 256 : i32
    %add3A_143 = arith.addi %mul3A_0, %add3A_142 : i32
    %dma_start3A_144 = arith.constant 0 : i32
    %dma_start3A_145 = tpu.memref_slice %arg12[%add3A_143, %dma_start3A_144] : memref<10240x64xf32, #tpu.memory_space<vmem_shared>> -> memref<128x64xf32, #tpu.memory_space<vmem_shared>>
    %dma_start3A_146 = arith.constant 0 : i32
    %dma_start3A_147 = tpu.memref_slice %arg12[%add3A_143, %dma_start3A_146] : memref<10240x64xf32, #tpu.memory_space<vmem_shared>> -> memref<128x64xf32, #tpu.memory_space<vmem_shared>>
    tpu.enqueue_dma source(%dma_start3A_147 : memref<128x64xf32, #tpu.memory_space<vmem_shared>>) target(%arg9 : memref<128x64xf32, #tpu.memory_space<vmem>>) target_semaphore(%arg13 : memref<!tpu.dma_semaphore, #tpu.memory_space<semaphore_mem>>)
    %add3A_148 = arith.constant 256 : i32
    %add3A_149 = arith.addi %mul3A_0, %add3A_148 : i32
    %dma_wait3A_150 = arith.constant 0 : i32
    %dma_wait3A_151 = tpu.memref_slice %arg12[%add3A_149, %dma_wait3A_150] : memref<10240x64xf32, #tpu.memory_space<vmem_shared>> -> memref<128x64xf32, #tpu.memory_space<vmem_shared>>
    %dma_wait3A_152 = arith.constant 0 : i32
    %dma_wait3A_153 = tpu.memref_slice %arg12[%add3A_149, %dma_wait3A_152] : memref<10240x64xf32, #tpu.memory_space<vmem_shared>> -> memref<128x64xf32, #tpu.memory_space<vmem_shared>>
    tpu.wait_dma2 semaphore(%arg13 : memref<!tpu.dma_semaphore, #tpu.memory_space<semaphore_mem>>) src(%dma_wait3A_153 : memref<128x64xf32, #tpu.memory_space<vmem_shared>>) dst(%arg9 : memref<128x64xf32, #tpu.memory_space<vmem>>)
    %add3A_154 = arith.constant 256 : i32
    %add3A_155 = arith.addi %mul3A_0, %add3A_154 : i32
    %dma_start3A_156 = arith.constant 0 : i32
    %dma_start3A_157 = tpu.memref_slice %arg6[%arg0, %add3A_155, %dma_start3A_156] : memref<2x10240x64xf32, #tpu.memory_space<hbm>> -> memref<1x128x64xf32, #tpu.memory_space<hbm>>
    %dma_start3A_158 = tpu.memref_squeeze %dma_start3A_157 : memref<1x128x64xf32, #tpu.memory_space<hbm>> -> memref<128x64xf32, #tpu.memory_space<hbm>>
    %dma_start3A_159 = arith.constant 0 : i32
    %dma_start3A_160 = tpu.memref_slice %arg6[%arg0, %add3A_155, %dma_start3A_159] : memref<2x10240x64xf32, #tpu.memory_space<hbm>> -> memref<1x128x64xf32, #tpu.memory_space<hbm>>
    %dma_start3A_161 = tpu.memref_squeeze %dma_start3A_160 : memref<1x128x64xf32, #tpu.memory_space<hbm>> -> memref<128x64xf32, #tpu.memory_space<hbm>>
    tpu.enqueue_dma source(%arg9 : memref<128x64xf32, #tpu.memory_space<vmem>>) target(%dma_start3A_161 : memref<128x64xf32, #tpu.memory_space<hbm>>) target_semaphore(%arg13 : memref<!tpu.dma_semaphore, #tpu.memory_space<semaphore_mem>>)
    %add3A_162 = arith.constant 128 : i32
    %add3A_163 = arith.addi %mul3A_0, %add3A_162 : i32
    %dma_wait3A_164 = arith.constant 0 : i32
    %dma_wait3A_165 = tpu.memref_slice %arg6[%arg0, %add3A_163, %dma_wait3A_164] : memref<2x10240x64xf32, #tpu.memory_space<hbm>> -> memref<1x128x64xf32, #tpu.memory_space<hbm>>
    %dma_wait3A_166 = tpu.memref_squeeze %dma_wait3A_165 : memref<1x128x64xf32, #tpu.memory_space<hbm>> -> memref<128x64xf32, #tpu.memory_space<hbm>>
    %dma_wait3A_167 = arith.constant 0 : i32
    %dma_wait3A_168 = tpu.memref_slice %arg6[%arg0, %add3A_163, %dma_wait3A_167] : memref<2x10240x64xf32, #tpu.memory_space<hbm>> -> memref<1x128x64xf32, #tpu.memory_space<hbm>>
    %dma_wait3A_169 = tpu.memref_squeeze %dma_wait3A_168 : memref<1x128x64xf32, #tpu.memory_space<hbm>> -> memref<128x64xf32, #tpu.memory_space<hbm>>
    tpu.wait_dma2 semaphore(%arg14 : memref<!tpu.dma_semaphore, #tpu.memory_space<semaphore_mem>>) src(%arg10 : memref<128x64xf32, #tpu.memory_space<vmem>>) dst(%dma_wait3A_169 : memref<128x64xf32, #tpu.memory_space<hbm>>)
    %add3A_170 = arith.constant 384 : i32
    %add3A_171 = arith.addi %mul3A_0, %add3A_170 : i32
    %dma_start3A_172 = arith.constant 0 : i32
    %dma_start3A_173 = tpu.memref_slice %arg12[%add3A_171, %dma_start3A_172] : memref<10240x64xf32, #tpu.memory_space<vmem_shared>> -> memref<128x64xf32, #tpu.memory_space<vmem_shared>>
    %dma_start3A_174 = arith.constant 0 : i32
    %dma_start3A_175 = tpu.memref_slice %arg12[%add3A_171, %dma_start3A_174] : memref<10240x64xf32, #tpu.memory_space<vmem_shared>> -> memref<128x64xf32, #tpu.memory_space<vmem_shared>>
    tpu.enqueue_dma source(%dma_start3A_175 : memref<128x64xf32, #tpu.memory_space<vmem_shared>>) target(%arg10 : memref<128x64xf32, #tpu.memory_space<vmem>>) target_semaphore(%arg14 : memref<!tpu.dma_semaphore, #tpu.memory_space<semaphore_mem>>)
    %add3A_176 = arith.constant 384 : i32
    %add3A_177 = arith.addi %mul3A_0, %add3A_176 : i32
    %dma_wait3A_178 = arith.constant 0 : i32
    %dma_wait3A_179 = tpu.memref_slice %arg12[%add3A_177, %dma_wait3A_178] : memref<10240x64xf32, #tpu.memory_space<vmem_shared>> -> memref<128x64xf32, #tpu.memory_space<vmem_shared>>
    %dma_wait3A_180 = arith.constant 0 : i32
    %dma_wait3A_181 = tpu.memref_slice %arg12[%add3A_177, %dma_wait3A_180] : memref<10240x64xf32, #tpu.memory_space<vmem_shared>> -> memref<128x64xf32, #tpu.memory_space<vmem_shared>>
    tpu.wait_dma2 semaphore(%arg14 : memref<!tpu.dma_semaphore, #tpu.memory_space<semaphore_mem>>) src(%dma_wait3A_181 : memref<128x64xf32, #tpu.memory_space<vmem_shared>>) dst(%arg10 : memref<128x64xf32, #tpu.memory_space<vmem>>)
    %add3A_182 = arith.constant 384 : i32
    %add3A_183 = arith.addi %mul3A_0, %add3A_182 : i32
    %dma_start3A_184 = arith.constant 0 : i32
    %dma_start3A_185 = tpu.memref_slice %arg6[%arg0, %add3A_183, %dma_start3A_184] : memref<2x10240x64xf32, #tpu.memory_space<hbm>> -> memref<1x128x64xf32, #tpu.memory_space<hbm>>
    %dma_start3A_186 = tpu.memref_squeeze %dma_start3A_185 : memref<1x128x64xf32, #tpu.memory_space<hbm>> -> memref<128x64xf32, #tpu.memory_space<hbm>>
    %dma_start3A_187 = arith.constant 0 : i32
    %dma_start3A_188 = tpu.memref_slice %arg6[%arg0, %add3A_183, %dma_start3A_187] : memref<2x10240x64xf32, #tpu.memory_space<hbm>> -> memref<1x128x64xf32, #tpu.memory_space<hbm>>
    %dma_start3A_189 = tpu.memref_squeeze %dma_start3A_188 : memref<1x128x64xf32, #tpu.memory_space<hbm>> -> memref<128x64xf32, #tpu.memory_space<hbm>>
    tpu.enqueue_dma source(%arg10 : memref<128x64xf32, #tpu.memory_space<vmem>>) target(%dma_start3A_189 : memref<128x64xf32, #tpu.memory_space<hbm>>) target_semaphore(%arg14 : memref<!tpu.dma_semaphore, #tpu.memory_space<semaphore_mem>>)
    %add3A_190 = arith.constant 256 : i32
    %add3A_191 = arith.addi %mul3A_0, %add3A_190 : i32
    %dma_wait3A_192 = arith.constant 0 : i32
    %dma_wait3A_193 = tpu.memref_slice %arg6[%arg0, %add3A_191, %dma_wait3A_192] : memref<2x10240x64xf32, #tpu.memory_space<hbm>> -> memref<1x128x64xf32, #tpu.memory_space<hbm>>
    %dma_wait3A_194 = tpu.memref_squeeze %dma_wait3A_193 : memref<1x128x64xf32, #tpu.memory_space<hbm>> -> memref<128x64xf32, #tpu.memory_space<hbm>>
    %dma_wait3A_195 = arith.constant 0 : i32
    %dma_wait3A_196 = tpu.memref_slice %arg6[%arg0, %add3A_191, %dma_wait3A_195] : memref<2x10240x64xf32, #tpu.memory_space<hbm>> -> memref<1x128x64xf32, #tpu.memory_space<hbm>>
    %dma_wait3A_197 = tpu.memref_squeeze %dma_wait3A_196 : memref<1x128x64xf32, #tpu.memory_space<hbm>> -> memref<128x64xf32, #tpu.memory_space<hbm>>
    tpu.wait_dma2 semaphore(%arg13 : memref<!tpu.dma_semaphore, #tpu.memory_space<semaphore_mem>>) src(%arg9 : memref<128x64xf32, #tpu.memory_space<vmem>>) dst(%dma_wait3A_197 : memref<128x64xf32, #tpu.memory_space<hbm>>)
    %add3A_198 = arith.constant 512 : i32
    %add3A_199 = arith.addi %mul3A_0, %add3A_198 : i32
    %dma_start3A_200 = arith.constant 0 : i32
    %dma_start3A_201 = tpu.memref_slice %arg12[%add3A_199, %dma_start3A_200] : memref<10240x64xf32, #tpu.memory_space<vmem_shared>> -> memref<128x64xf32, #tpu.memory_space<vmem_shared>>
    %dma_start3A_202 = arith.constant 0 : i32
    %dma_start3A_203 = tpu.memref_slice %arg12[%add3A_199, %dma_start3A_202] : memref<10240x64xf32, #tpu.memory_space<vmem_shared>> -> memref<128x64xf32, #tpu.memory_space<vmem_shared>>
    tpu.enqueue_dma source(%dma_start3A_203 : memref<128x64xf32, #tpu.memory_space<vmem_shared>>) target(%arg9 : memref<128x64xf32, #tpu.memory_space<vmem>>) target_semaphore(%arg13 : memref<!tpu.dma_semaphore, #tpu.memory_space<semaphore_mem>>)
    %add3A_204 = arith.constant 512 : i32
    %add3A_205 = arith.addi %mul3A_0, %add3A_204 : i32
    %dma_wait3A_206 = arith.constant 0 : i32
    %dma_wait3A_207 = tpu.memref_slice %arg12[%add3A_205, %dma_wait3A_206] : memref<10240x64xf32, #tpu.memory_space<vmem_shared>> -> memref<128x64xf32, #tpu.memory_space<vmem_shared>>
    %dma_wait3A_208 = arith.constant 0 : i32
    %dma_wait3A_209 = tpu.memref_slice %arg12[%add3A_205, %dma_wait3A_208] : memref<10240x64xf32, #tpu.memory_space<vmem_shared>> -> memref<128x64xf32, #tpu.memory_space<vmem_shared>>
    tpu.wait_dma2 semaphore(%arg13 : memref<!tpu.dma_semaphore, #tpu.memory_space<semaphore_mem>>) src(%dma_wait3A_209 : memref<128x64xf32, #tpu.memory_space<vmem_shared>>) dst(%arg9 : memref<128x64xf32, #tpu.memory_space<vmem>>)
    %add3A_210 = arith.constant 512 : i32
    %add3A_211 = arith.addi %mul3A_0, %add3A_210 : i32
    %dma_start3A_212 = arith.constant 0 : i32
    %dma_start3A_213 = tpu.memref_slice %arg6[%arg0, %add3A_211, %dma_start3A_212] : memref<2x10240x64xf32, #tpu.memory_space<hbm>> -> memref<1x128x64xf32, #tpu.memory_space<hbm>>
    %dma_start3A_214 = tpu.memref_squeeze %dma_start3A_213 : memref<1x128x64xf32, #tpu.memory_space<hbm>> -> memref<128x64xf32, #tpu.memory_space<hbm>>
    %dma_start3A_215 = arith.constant 0 : i32
    %dma_start3A_216 = tpu.memref_slice %arg6[%arg0, %add3A_211, %dma_start3A_215] : memref<2x10240x64xf32, #tpu.memory_space<hbm>> -> memref<1x128x64xf32, #tpu.memory_space<hbm>>
    %dma_start3A_217 = tpu.memref_squeeze %dma_start3A_216 : memref<1x128x64xf32, #tpu.memory_space<hbm>> -> memref<128x64xf32, #tpu.memory_space<hbm>>
    tpu.enqueue_dma source(%arg9 : memref<128x64xf32, #tpu.memory_space<vmem>>) target(%dma_start3A_217 : memref<128x64xf32, #tpu.memory_space<hbm>>) target_semaphore(%arg13 : memref<!tpu.dma_semaphore, #tpu.memory_space<semaphore_mem>>)
    %add3A_218 = arith.constant 384 : i32
    %add3A_219 = arith.addi %mul3A_0, %add3A_218 : i32
    %dma_wait3A_220 = arith.constant 0 : i32
    %dma_wait3A_221 = tpu.memref_slice %arg6[%arg0, %add3A_219, %dma_wait3A_220] : memref<2x10240x64xf32, #tpu.memory_space<hbm>> -> memref<1x128x64xf32, #tpu.memory_space<hbm>>
    %dma_wait3A_222 = tpu.memref_squeeze %dma_wait3A_221 : memref<1x128x64xf32, #tpu.memory_space<hbm>> -> memref<128x64xf32, #tpu.memory_space<hbm>>
    %dma_wait3A_223 = arith.constant 0 : i32
    %dma_wait3A_224 = tpu.memref_slice %arg6[%arg0, %add3A_219, %dma_wait3A_223] : memref<2x10240x64xf32, #tpu.memory_space<hbm>> -> memref<1x128x64xf32, #tpu.memory_space<hbm>>
    %dma_wait3A_225 = tpu.memref_squeeze %dma_wait3A_224 : memref<1x128x64xf32, #tpu.memory_space<hbm>> -> memref<128x64xf32, #tpu.memory_space<hbm>>
    tpu.wait_dma2 semaphore(%arg14 : memref<!tpu.dma_semaphore, #tpu.memory_space<semaphore_mem>>) src(%arg10 : memref<128x64xf32, #tpu.memory_space<vmem>>) dst(%dma_wait3A_225 : memref<128x64xf32, #tpu.memory_space<hbm>>)
    %add3A_226 = arith.constant 512 : i32
    %add3A_227 = arith.addi %mul3A_0, %add3A_226 : i32
    %dma_wait3A_228 = arith.constant 0 : i32
    %dma_wait3A_229 = tpu.memref_slice %arg6[%arg0, %add3A_227, %dma_wait3A_228] : memref<2x10240x64xf32, #tpu.memory_space<hbm>> -> memref<1x128x64xf32, #tpu.memory_space<hbm>>
    %dma_wait3A_230 = tpu.memref_squeeze %dma_wait3A_229 : memref<1x128x64xf32, #tpu.memory_space<hbm>> -> memref<128x64xf32, #tpu.memory_space<hbm>>
    %dma_wait3A_231 = arith.constant 0 : i32
    %dma_wait3A_232 = tpu.memref_slice %arg6[%arg0, %add3A_227, %dma_wait3A_231] : memref<2x10240x64xf32, #tpu.memory_space<hbm>> -> memref<1x128x64xf32, #tpu.memory_space<hbm>>
    %dma_wait3A_233 = tpu.memref_squeeze %dma_wait3A_232 : memref<1x128x64xf32, #tpu.memory_space<hbm>> -> memref<128x64xf32, #tpu.memory_space<hbm>>
    tpu.wait_dma2 semaphore(%arg13 : memref<!tpu.dma_semaphore, #tpu.memory_space<semaphore_mem>>) src(%arg9 : memref<128x64xf32, #tpu.memory_space<vmem>>) dst(%dma_wait3A_233 : memref<128x64xf32, #tpu.memory_space<hbm>>)
    return
  }
}

#map = affine_map<(d0, d1) -> (0, 0)>
#map1 = affine_map<(d0, d1) -> (0, 0, 0, 0)>
#map2 = affine_map<(d0, d1) -> (0, 0, 0)>
module attributes {stable_mosaic.version = 14 : i64} {
  func.func @_sc_agg(%arg0: i32, %arg1: i32, %arg2: memref<20000x64xf32, #tpu.memory_space<hbm>>, %arg3: memref<2x16x158x128xi32, #tpu.memory_space<hbm>>, %arg4: memref<16x158x128xi32, #tpu.memory_space<hbm>>, %arg5: memref<128x64xf32, #tpu.memory_space<hbm>>, %arg6: memref<2x10240x64xf32, #tpu.memory_space<hbm>>, %arg7: memref<158x128xi32, #tpu.memory_space<vmem>>, %arg8: memref<158x128xi32, #tpu.memory_space<vmem>>, %arg9: memref<128x64xf32, #tpu.memory_space<vmem>>, %arg10: memref<128x64xf32, #tpu.memory_space<vmem>>, %arg11: memref<128x64xf32, #tpu.memory_space<vmem>>, %arg12: memref<10240x64xf32, #tpu.memory_space<vmem_shared>>, %arg13: memref<!tpu.dma_semaphore, #tpu.memory_space<semaphore_mem>>, %arg14: memref<!tpu.dma_semaphore, #tpu.memory_space<semaphore_mem>>) attributes {dimension_semantics = [#tpu.dimension_semantics<core_parallel>, #tpu.dimension_semantics<subcore_parallel>], iteration_bounds = array<i64: 2, 16>, scalar_prefetch = 0 : i64, scratch_operands = 8 : i64, tpu.core_type = #tpu.core_type<sc_vector_subcore>, window_params = [{transform_indices = #map}, {transform_indices = #map1}, {transform_indices = #map2}, {transform_indices = #map}, {transform_indices = #map2}]} {
    "tpu.region"() ({
      %run_scoped3A_234 = tpu.sem_alloc : memref<!tpu.dma_semaphore, #tpu.memory_space<semaphore_mem>>
      %dma_start3A_235 = arith.constant 0 : i32
      %dma_start3A_236 = arith.constant 0 : i32
      %dma_start3A_237 = tpu.memref_slice %arg3[%arg0, %arg1, %dma_start3A_235, %dma_start3A_236] : memref<2x16x158x128xi32, #tpu.memory_space<hbm>> -> memref<1x1x158x128xi32, #tpu.memory_space<hbm>>
      %dma_start3A_238 = tpu.memref_squeeze %dma_start3A_237 : memref<1x1x158x128xi32, #tpu.memory_space<hbm>> -> memref<158x128xi32, #tpu.memory_space<hbm>>
      %dma_start3A_239 = arith.constant 0 : i32
      %dma_start3A_240 = arith.constant 0 : i32
      %dma_start3A_241 = tpu.memref_slice %arg3[%arg0, %arg1, %dma_start3A_239, %dma_start3A_240] : memref<2x16x158x128xi32, #tpu.memory_space<hbm>> -> memref<1x1x158x128xi32, #tpu.memory_space<hbm>>
      %dma_start3A_242 = tpu.memref_squeeze %dma_start3A_241 : memref<1x1x158x128xi32, #tpu.memory_space<hbm>> -> memref<158x128xi32, #tpu.memory_space<hbm>>
      tpu.enqueue_dma source(%dma_start3A_242 : memref<158x128xi32, #tpu.memory_space<hbm>>) target(%arg7 : memref<158x128xi32, #tpu.memory_space<vmem>>) target_semaphore(%run_scoped3A_234 : memref<!tpu.dma_semaphore, #tpu.memory_space<semaphore_mem>>)
      %dma_wait3A_243 = arith.constant 0 : i32
      %dma_wait3A_244 = arith.constant 0 : i32
      %dma_wait3A_245 = tpu.memref_slice %arg3[%arg0, %arg1, %dma_wait3A_243, %dma_wait3A_244] : memref<2x16x158x128xi32, #tpu.memory_space<hbm>> -> memref<1x1x158x128xi32, #tpu.memory_space<hbm>>
      %dma_wait3A_246 = tpu.memref_squeeze %dma_wait3A_245 : memref<1x1x158x128xi32, #tpu.memory_space<hbm>> -> memref<158x128xi32, #tpu.memory_space<hbm>>
      %dma_wait3A_247 = arith.constant 0 : i32
      %dma_wait3A_248 = arith.constant 0 : i32
      %dma_wait3A_249 = tpu.memref_slice %arg3[%arg0, %arg1, %dma_wait3A_247, %dma_wait3A_248] : memref<2x16x158x128xi32, #tpu.memory_space<hbm>> -> memref<1x1x158x128xi32, #tpu.memory_space<hbm>>
      %dma_wait3A_250 = tpu.memref_squeeze %dma_wait3A_249 : memref<1x1x158x128xi32, #tpu.memory_space<hbm>> -> memref<158x128xi32, #tpu.memory_space<hbm>>
      tpu.wait_dma2 semaphore(%run_scoped3A_234 : memref<!tpu.dma_semaphore, #tpu.memory_space<semaphore_mem>>) src(%dma_wait3A_250 : memref<158x128xi32, #tpu.memory_space<hbm>>) dst(%arg7 : memref<158x128xi32, #tpu.memory_space<vmem>>)
      tpu.yield
    }) : () -> ()
    "tpu.region"() ({
      %run_scoped3A_234 = tpu.sem_alloc : memref<!tpu.dma_semaphore, #tpu.memory_space<semaphore_mem>>
      %dma_start3A_235 = arith.constant 0 : i32
      %dma_start3A_236 = arith.constant 0 : i32
      %dma_start3A_237 = tpu.memref_slice %arg4[%arg1, %dma_start3A_235, %dma_start3A_236] : memref<16x158x128xi32, #tpu.memory_space<hbm>> -> memref<1x158x128xi32, #tpu.memory_space<hbm>>
      %dma_start3A_238 = tpu.memref_squeeze %dma_start3A_237 : memref<1x158x128xi32, #tpu.memory_space<hbm>> -> memref<158x128xi32, #tpu.memory_space<hbm>>
      %dma_start3A_239 = arith.constant 0 : i32
      %dma_start3A_240 = arith.constant 0 : i32
      %dma_start3A_241 = tpu.memref_slice %arg4[%arg1, %dma_start3A_239, %dma_start3A_240] : memref<16x158x128xi32, #tpu.memory_space<hbm>> -> memref<1x158x128xi32, #tpu.memory_space<hbm>>
      %dma_start3A_242 = tpu.memref_squeeze %dma_start3A_241 : memref<1x158x128xi32, #tpu.memory_space<hbm>> -> memref<158x128xi32, #tpu.memory_space<hbm>>
      tpu.enqueue_dma source(%dma_start3A_242 : memref<158x128xi32, #tpu.memory_space<hbm>>) target(%arg8 : memref<158x128xi32, #tpu.memory_space<vmem>>) target_semaphore(%run_scoped3A_234 : memref<!tpu.dma_semaphore, #tpu.memory_space<semaphore_mem>>)
      %dma_wait3A_243 = arith.constant 0 : i32
      %dma_wait3A_244 = arith.constant 0 : i32
      %dma_wait3A_245 = tpu.memref_slice %arg4[%arg1, %dma_wait3A_243, %dma_wait3A_244] : memref<16x158x128xi32, #tpu.memory_space<hbm>> -> memref<1x158x128xi32, #tpu.memory_space<hbm>>
      %dma_wait3A_246 = tpu.memref_squeeze %dma_wait3A_245 : memref<1x158x128xi32, #tpu.memory_space<hbm>> -> memref<158x128xi32, #tpu.memory_space<hbm>>
      %dma_wait3A_247 = arith.constant 0 : i32
      %dma_wait3A_248 = arith.constant 0 : i32
      %dma_wait3A_249 = tpu.memref_slice %arg4[%arg1, %dma_wait3A_247, %dma_wait3A_248] : memref<16x158x128xi32, #tpu.memory_space<hbm>> -> memref<1x158x128xi32, #tpu.memory_space<hbm>>
      %dma_wait3A_250 = tpu.memref_squeeze %dma_wait3A_249 : memref<1x158x128xi32, #tpu.memory_space<hbm>> -> memref<158x128xi32, #tpu.memory_space<hbm>>
      tpu.wait_dma2 semaphore(%run_scoped3A_234 : memref<!tpu.dma_semaphore, #tpu.memory_space<semaphore_mem>>) src(%dma_wait3A_250 : memref<158x128xi32, #tpu.memory_space<hbm>>) dst(%arg8 : memref<158x128xi32, #tpu.memory_space<vmem>>)
      tpu.yield
    }) : () -> ()
    "tpu.region"() ({
      %run_scoped3A_234 = tpu.sem_alloc : memref<!tpu.dma_semaphore, #tpu.memory_space<semaphore_mem>>
      tpu.enqueue_dma source(%arg5 : memref<128x64xf32, #tpu.memory_space<hbm>>) target(%arg11 : memref<128x64xf32, #tpu.memory_space<vmem>>) target_semaphore(%run_scoped3A_234 : memref<!tpu.dma_semaphore, #tpu.memory_space<semaphore_mem>>)
      tpu.wait_dma2 semaphore(%run_scoped3A_234 : memref<!tpu.dma_semaphore, #tpu.memory_space<semaphore_mem>>) src(%arg5 : memref<128x64xf32, #tpu.memory_space<hbm>>) dst(%arg11 : memref<128x64xf32, #tpu.memory_space<vmem>>)
      tpu.yield
    }) : () -> ()
    %mul3A = arith.constant 640 : i32
    %mul3A_0 = arith.muli %arg1, %mul3A : i32
    %add3A = arith.constant 0 : i32
    %add3A_1 = arith.addi %mul3A_0, %add3A : i32
    %dma_start3A = arith.constant 0 : i32
    %dma_start3A_2 = tpu.memref_slice %arg12[%add3A_1, %dma_start3A] : memref<10240x64xf32, #tpu.memory_space<vmem_shared>> -> memref<128x64xf32, #tpu.memory_space<vmem_shared>>
    %dma_start3A_3 = arith.constant 0 : i32
    %dma_start3A_4 = tpu.memref_slice %arg12[%add3A_1, %dma_start3A_3] : memref<10240x64xf32, #tpu.memory_space<vmem_shared>> -> memref<128x64xf32, #tpu.memory_space<vmem_shared>>
    tpu.enqueue_dma source(%arg11 : memref<128x64xf32, #tpu.memory_space<vmem>>) target(%dma_start3A_4 : memref<128x64xf32, #tpu.memory_space<vmem_shared>>) target_semaphore(%arg13 : memref<!tpu.dma_semaphore, #tpu.memory_space<semaphore_mem>>)
    %add3A_5 = arith.constant 128 : i32
    %add3A_6 = arith.addi %mul3A_0, %add3A_5 : i32
    %dma_start3A_7 = arith.constant 0 : i32
    %dma_start3A_8 = tpu.memref_slice %arg12[%add3A_6, %dma_start3A_7] : memref<10240x64xf32, #tpu.memory_space<vmem_shared>> -> memref<128x64xf32, #tpu.memory_space<vmem_shared>>
    %dma_start3A_9 = arith.constant 0 : i32
    %dma_start3A_10 = tpu.memref_slice %arg12[%add3A_6, %dma_start3A_9] : memref<10240x64xf32, #tpu.memory_space<vmem_shared>> -> memref<128x64xf32, #tpu.memory_space<vmem_shared>>
    tpu.enqueue_dma source(%arg11 : memref<128x64xf32, #tpu.memory_space<vmem>>) target(%dma_start3A_10 : memref<128x64xf32, #tpu.memory_space<vmem_shared>>) target_semaphore(%arg13 : memref<!tpu.dma_semaphore, #tpu.memory_space<semaphore_mem>>)
    %add3A_11 = arith.constant 256 : i32
    %add3A_12 = arith.addi %mul3A_0, %add3A_11 : i32
    %dma_start3A_13 = arith.constant 0 : i32
    %dma_start3A_14 = tpu.memref_slice %arg12[%add3A_12, %dma_start3A_13] : memref<10240x64xf32, #tpu.memory_space<vmem_shared>> -> memref<128x64xf32, #tpu.memory_space<vmem_shared>>
    %dma_start3A_15 = arith.constant 0 : i32
    %dma_start3A_16 = tpu.memref_slice %arg12[%add3A_12, %dma_start3A_15] : memref<10240x64xf32, #tpu.memory_space<vmem_shared>> -> memref<128x64xf32, #tpu.memory_space<vmem_shared>>
    tpu.enqueue_dma source(%arg11 : memref<128x64xf32, #tpu.memory_space<vmem>>) target(%dma_start3A_16 : memref<128x64xf32, #tpu.memory_space<vmem_shared>>) target_semaphore(%arg13 : memref<!tpu.dma_semaphore, #tpu.memory_space<semaphore_mem>>)
    %add3A_17 = arith.constant 384 : i32
    %add3A_18 = arith.addi %mul3A_0, %add3A_17 : i32
    %dma_start3A_19 = arith.constant 0 : i32
    %dma_start3A_20 = tpu.memref_slice %arg12[%add3A_18, %dma_start3A_19] : memref<10240x64xf32, #tpu.memory_space<vmem_shared>> -> memref<128x64xf32, #tpu.memory_space<vmem_shared>>
    %dma_start3A_21 = arith.constant 0 : i32
    %dma_start3A_22 = tpu.memref_slice %arg12[%add3A_18, %dma_start3A_21] : memref<10240x64xf32, #tpu.memory_space<vmem_shared>> -> memref<128x64xf32, #tpu.memory_space<vmem_shared>>
    tpu.enqueue_dma source(%arg11 : memref<128x64xf32, #tpu.memory_space<vmem>>) target(%dma_start3A_22 : memref<128x64xf32, #tpu.memory_space<vmem_shared>>) target_semaphore(%arg13 : memref<!tpu.dma_semaphore, #tpu.memory_space<semaphore_mem>>)
    %add3A_23 = arith.constant 512 : i32
    %add3A_24 = arith.addi %mul3A_0, %add3A_23 : i32
    %dma_start3A_25 = arith.constant 0 : i32
    %dma_start3A_26 = tpu.memref_slice %arg12[%add3A_24, %dma_start3A_25] : memref<10240x64xf32, #tpu.memory_space<vmem_shared>> -> memref<128x64xf32, #tpu.memory_space<vmem_shared>>
    %dma_start3A_27 = arith.constant 0 : i32
    %dma_start3A_28 = tpu.memref_slice %arg12[%add3A_24, %dma_start3A_27] : memref<10240x64xf32, #tpu.memory_space<vmem_shared>> -> memref<128x64xf32, #tpu.memory_space<vmem_shared>>
    tpu.enqueue_dma source(%arg11 : memref<128x64xf32, #tpu.memory_space<vmem>>) target(%dma_start3A_28 : memref<128x64xf32, #tpu.memory_space<vmem_shared>>) target_semaphore(%arg13 : memref<!tpu.dma_semaphore, #tpu.memory_space<semaphore_mem>>)
    %add3A_29 = arith.constant 0 : i32
    %add3A_30 = arith.addi %mul3A_0, %add3A_29 : i32
    %dma_wait3A = arith.constant 0 : i32
    %dma_wait3A_31 = tpu.memref_slice %arg12[%add3A_30, %dma_wait3A] : memref<10240x64xf32, #tpu.memory_space<vmem_shared>> -> memref<128x64xf32, #tpu.memory_space<vmem_shared>>
    %dma_wait3A_32 = arith.constant 0 : i32
    %dma_wait3A_33 = tpu.memref_slice %arg12[%add3A_30, %dma_wait3A_32] : memref<10240x64xf32, #tpu.memory_space<vmem_shared>> -> memref<128x64xf32, #tpu.memory_space<vmem_shared>>
    tpu.wait_dma2 semaphore(%arg13 : memref<!tpu.dma_semaphore, #tpu.memory_space<semaphore_mem>>) src(%arg11 : memref<128x64xf32, #tpu.memory_space<vmem>>) dst(%dma_wait3A_33 : memref<128x64xf32, #tpu.memory_space<vmem_shared>>)
    %add3A_34 = arith.constant 128 : i32
    %add3A_35 = arith.addi %mul3A_0, %add3A_34 : i32
    %dma_wait3A_36 = arith.constant 0 : i32
    %dma_wait3A_37 = tpu.memref_slice %arg12[%add3A_35, %dma_wait3A_36] : memref<10240x64xf32, #tpu.memory_space<vmem_shared>> -> memref<128x64xf32, #tpu.memory_space<vmem_shared>>
    %dma_wait3A_38 = arith.constant 0 : i32
    %dma_wait3A_39 = tpu.memref_slice %arg12[%add3A_35, %dma_wait3A_38] : memref<10240x64xf32, #tpu.memory_space<vmem_shared>> -> memref<128x64xf32, #tpu.memory_space<vmem_shared>>
    tpu.wait_dma2 semaphore(%arg13 : memref<!tpu.dma_semaphore, #tpu.memory_space<semaphore_mem>>) src(%arg11 : memref<128x64xf32, #tpu.memory_space<vmem>>) dst(%dma_wait3A_39 : memref<128x64xf32, #tpu.memory_space<vmem_shared>>)
    %add3A_40 = arith.constant 256 : i32
    %add3A_41 = arith.addi %mul3A_0, %add3A_40 : i32
    %dma_wait3A_42 = arith.constant 0 : i32
    %dma_wait3A_43 = tpu.memref_slice %arg12[%add3A_41, %dma_wait3A_42] : memref<10240x64xf32, #tpu.memory_space<vmem_shared>> -> memref<128x64xf32, #tpu.memory_space<vmem_shared>>
    %dma_wait3A_44 = arith.constant 0 : i32
    %dma_wait3A_45 = tpu.memref_slice %arg12[%add3A_41, %dma_wait3A_44] : memref<10240x64xf32, #tpu.memory_space<vmem_shared>> -> memref<128x64xf32, #tpu.memory_space<vmem_shared>>
    tpu.wait_dma2 semaphore(%arg13 : memref<!tpu.dma_semaphore, #tpu.memory_space<semaphore_mem>>) src(%arg11 : memref<128x64xf32, #tpu.memory_space<vmem>>) dst(%dma_wait3A_45 : memref<128x64xf32, #tpu.memory_space<vmem_shared>>)
    %add3A_46 = arith.constant 384 : i32
    %add3A_47 = arith.addi %mul3A_0, %add3A_46 : i32
    %dma_wait3A_48 = arith.constant 0 : i32
    %dma_wait3A_49 = tpu.memref_slice %arg12[%add3A_47, %dma_wait3A_48] : memref<10240x64xf32, #tpu.memory_space<vmem_shared>> -> memref<128x64xf32, #tpu.memory_space<vmem_shared>>
    %dma_wait3A_50 = arith.constant 0 : i32
    %dma_wait3A_51 = tpu.memref_slice %arg12[%add3A_47, %dma_wait3A_50] : memref<10240x64xf32, #tpu.memory_space<vmem_shared>> -> memref<128x64xf32, #tpu.memory_space<vmem_shared>>
    tpu.wait_dma2 semaphore(%arg13 : memref<!tpu.dma_semaphore, #tpu.memory_space<semaphore_mem>>) src(%arg11 : memref<128x64xf32, #tpu.memory_space<vmem>>) dst(%dma_wait3A_51 : memref<128x64xf32, #tpu.memory_space<vmem_shared>>)
    %add3A_52 = arith.constant 512 : i32
    %add3A_53 = arith.addi %mul3A_0, %add3A_52 : i32
    %dma_wait3A_54 = arith.constant 0 : i32
    %dma_wait3A_55 = tpu.memref_slice %arg12[%add3A_53, %dma_wait3A_54] : memref<10240x64xf32, #tpu.memory_space<vmem_shared>> -> memref<128x64xf32, #tpu.memory_space<vmem_shared>>
    %dma_wait3A_56 = arith.constant 0 : i32
    %dma_wait3A_57 = tpu.memref_slice %arg12[%add3A_53, %dma_wait3A_56] : memref<10240x64xf32, #tpu.memory_space<vmem_shared>> -> memref<128x64xf32, #tpu.memory_space<vmem_shared>>
    tpu.wait_dma2 semaphore(%arg13 : memref<!tpu.dma_semaphore, #tpu.memory_space<semaphore_mem>>) src(%arg11 : memref<128x64xf32, #tpu.memory_space<vmem>>) dst(%dma_wait3A_57 : memref<128x64xf32, #tpu.memory_space<vmem_shared>>)
    %barrier3A = arith.constant 0 : index
    tpu.barrier barrier_id(%barrier3A)
    %dma_start3A_58 = arith.constant 0 : i32
    %dma_start3A_59 = arith.constant 0 : i32
    %dma_start3A_60 = tpu.memref_slice %arg7[%dma_start3A_58, %dma_start3A_59] : memref<158x128xi32, #tpu.memory_space<vmem>> -> memref<1x128xi32, #tpu.memory_space<vmem>>
    %dma_start3A_61 = tpu.memref_squeeze %dma_start3A_60 : memref<1x128xi32, #tpu.memory_space<vmem>> -> memref<128xi32, #tpu.memory_space<vmem>>
    %dma_start3A_62 = arith.constant 0 : i32
    %dma_start3A_63 = arith.constant 0 : i32
    %dma_start3A_64 = tpu.memref_slice %arg2[%dma_start3A_62, %dma_start3A_63] : memref<20000x64xf32, #tpu.memory_space<hbm>> -> memref<20000x64xf32, #tpu.memory_space<hbm>>
    tpu.enqueue_indirect_dma source(%dma_start3A_64 : memref<20000x64xf32, #tpu.memory_space<hbm>>) target(%arg9 : memref<128x64xf32, #tpu.memory_space<vmem>>) offsets(%dma_start3A_61 : memref<128xi32, #tpu.memory_space<vmem>>) semaphore(%arg13 : memref<!tpu.dma_semaphore, #tpu.memory_space<semaphore_mem>>)
    %scan3A = arith.constant 0 : i32
    %scan3A_65 = arith.constant 0 : i32
    %scan3A_66 = arith.constant 78 : i32
    %scan3A_67 = arith.addi %scan3A_65, %scan3A_66 : i32
    %scan3A_68 = arith.constant 1 : i32
    %scan3A_69 = scf.for %scan3A_234 = %scan3A_65 to %scan3A_67 step %scan3A_68 iter_args(%scan3A_235 = %scan3A) -> (i32)  : i32 {
      %mul3A_236 = arith.constant 2 : i32
      %mul3A_237 = arith.muli %scan3A_234, %mul3A_236 : i32
      %add3A_238 = arith.constant 1 : i32
      %add3A_239 = arith.addi %mul3A_237, %add3A_238 : i32
      %dma_start3A_240 = arith.constant 0 : i32
      %dma_start3A_241 = tpu.memref_slice %arg7[%add3A_239, %dma_start3A_240] : memref<158x128xi32, #tpu.memory_space<vmem>> -> memref<1x128xi32, #tpu.memory_space<vmem>>
      %dma_start3A_242 = tpu.memref_squeeze %dma_start3A_241 : memref<1x128xi32, #tpu.memory_space<vmem>> -> memref<128xi32, #tpu.memory_space<vmem>>
      %dma_start3A_243 = arith.constant 0 : i32
      %dma_start3A_244 = arith.constant 0 : i32
      %dma_start3A_245 = tpu.memref_slice %arg2[%dma_start3A_243, %dma_start3A_244] : memref<20000x64xf32, #tpu.memory_space<hbm>> -> memref<20000x64xf32, #tpu.memory_space<hbm>>
      tpu.enqueue_indirect_dma source(%dma_start3A_245 : memref<20000x64xf32, #tpu.memory_space<hbm>>) target(%arg10 : memref<128x64xf32, #tpu.memory_space<vmem>>) offsets(%dma_start3A_242 : memref<128xi32, #tpu.memory_space<vmem>>) semaphore(%arg14 : memref<!tpu.dma_semaphore, #tpu.memory_space<semaphore_mem>>)
      %dma_wait3A_246 = arith.constant 0 : i32
      %dma_wait3A_247 = tpu.memref_slice %arg7[%mul3A_237, %dma_wait3A_246] : memref<158x128xi32, #tpu.memory_space<vmem>> -> memref<1x128xi32, #tpu.memory_space<vmem>>
      %dma_wait3A_248 = tpu.memref_squeeze %dma_wait3A_247 : memref<1x128xi32, #tpu.memory_space<vmem>> -> memref<128xi32, #tpu.memory_space<vmem>>
      %dma_wait3A_249 = arith.constant 0 : i32
      %dma_wait3A_250 = arith.constant 0 : i32
      %dma_wait3A_251 = tpu.memref_slice %arg2[%dma_wait3A_249, %dma_wait3A_250] : memref<20000x64xf32, #tpu.memory_space<hbm>> -> memref<20000x64xf32, #tpu.memory_space<hbm>>
      tpu.wait_indirect_dma semaphore(%arg13 : memref<!tpu.dma_semaphore, #tpu.memory_space<semaphore_mem>>) src(%dma_wait3A_251 : memref<20000x64xf32, #tpu.memory_space<hbm>>) dst(%arg9 : memref<128x64xf32, #tpu.memory_space<vmem>>)
      "tpu.region"() ({
        %run_scoped3A_271 = tpu.sem_alloc : memref<!tpu.dma_semaphore, #tpu.memory_space<semaphore_mem>>
        %dma_start3A_272 = arith.constant 0 : i32
        %dma_start3A_273 = tpu.memref_slice %arg8[%mul3A_237, %dma_start3A_272] : memref<158x128xi32, #tpu.memory_space<vmem>> -> memref<1x128xi32, #tpu.memory_space<vmem>>
        %dma_start3A_274 = tpu.memref_squeeze %dma_start3A_273 : memref<1x128xi32, #tpu.memory_space<vmem>> -> memref<128xi32, #tpu.memory_space<vmem>>
        %dma_start3A_275 = arith.constant 0 : i32
        %dma_start3A_276 = arith.constant 0 : i32
        %dma_start3A_277 = tpu.memref_slice %arg12[%dma_start3A_275, %dma_start3A_276] : memref<10240x64xf32, #tpu.memory_space<vmem_shared>> -> memref<10240x64xf32, #tpu.memory_space<vmem_shared>>
        tpu.enqueue_indirect_dma source(%arg9 : memref<128x64xf32, #tpu.memory_space<vmem>>) target(%dma_start3A_277 : memref<10240x64xf32, #tpu.memory_space<vmem_shared>>) offsets(%dma_start3A_274 : memref<128xi32, #tpu.memory_space<vmem>>) semaphore(%run_scoped3A_271 : memref<!tpu.dma_semaphore, #tpu.memory_space<semaphore_mem>>) {add = true}
        %dma_wait3A_278 = arith.constant 0 : i32
        %dma_wait3A_279 = tpu.memref_slice %arg8[%mul3A_237, %dma_wait3A_278] : memref<158x128xi32, #tpu.memory_space<vmem>> -> memref<1x128xi32, #tpu.memory_space<vmem>>
        %dma_wait3A_280 = tpu.memref_squeeze %dma_wait3A_279 : memref<1x128xi32, #tpu.memory_space<vmem>> -> memref<128xi32, #tpu.memory_space<vmem>>
        %dma_wait3A_281 = arith.constant 0 : i32
        %dma_wait3A_282 = arith.constant 0 : i32
        %dma_wait3A_283 = tpu.memref_slice %arg12[%dma_wait3A_281, %dma_wait3A_282] : memref<10240x64xf32, #tpu.memory_space<vmem_shared>> -> memref<10240x64xf32, #tpu.memory_space<vmem_shared>>
        tpu.wait_indirect_dma semaphore(%run_scoped3A_271 : memref<!tpu.dma_semaphore, #tpu.memory_space<semaphore_mem>>) src(%arg9 : memref<128x64xf32, #tpu.memory_space<vmem>>) dst(%dma_wait3A_283 : memref<10240x64xf32, #tpu.memory_space<vmem_shared>>)
        tpu.yield
      }) : () -> ()
      %add3A_252 = arith.constant 2 : i32
      %add3A_253 = arith.addi %mul3A_237, %add3A_252 : i32
      %dma_start3A_254 = arith.constant 0 : i32
      %dma_start3A_255 = tpu.memref_slice %arg7[%add3A_253, %dma_start3A_254] : memref<158x128xi32, #tpu.memory_space<vmem>> -> memref<1x128xi32, #tpu.memory_space<vmem>>
      %dma_start3A_256 = tpu.memref_squeeze %dma_start3A_255 : memref<1x128xi32, #tpu.memory_space<vmem>> -> memref<128xi32, #tpu.memory_space<vmem>>
      %dma_start3A_257 = arith.constant 0 : i32
      %dma_start3A_258 = arith.constant 0 : i32
      %dma_start3A_259 = tpu.memref_slice %arg2[%dma_start3A_257, %dma_start3A_258] : memref<20000x64xf32, #tpu.memory_space<hbm>> -> memref<20000x64xf32, #tpu.memory_space<hbm>>
      tpu.enqueue_indirect_dma source(%dma_start3A_259 : memref<20000x64xf32, #tpu.memory_space<hbm>>) target(%arg9 : memref<128x64xf32, #tpu.memory_space<vmem>>) offsets(%dma_start3A_256 : memref<128xi32, #tpu.memory_space<vmem>>) semaphore(%arg13 : memref<!tpu.dma_semaphore, #tpu.memory_space<semaphore_mem>>)
      %add3A_260 = arith.constant 1 : i32
      %add3A_261 = arith.addi %mul3A_237, %add3A_260 : i32
      %dma_wait3A_262 = arith.constant 0 : i32
      %dma_wait3A_263 = tpu.memref_slice %arg7[%add3A_261, %dma_wait3A_262] : memref<158x128xi32, #tpu.memory_space<vmem>> -> memref<1x128xi32, #tpu.memory_space<vmem>>
      %dma_wait3A_264 = tpu.memref_squeeze %dma_wait3A_263 : memref<1x128xi32, #tpu.memory_space<vmem>> -> memref<128xi32, #tpu.memory_space<vmem>>
      %dma_wait3A_265 = arith.constant 0 : i32
      %dma_wait3A_266 = arith.constant 0 : i32
      %dma_wait3A_267 = tpu.memref_slice %arg2[%dma_wait3A_265, %dma_wait3A_266] : memref<20000x64xf32, #tpu.memory_space<hbm>> -> memref<20000x64xf32, #tpu.memory_space<hbm>>
      tpu.wait_indirect_dma semaphore(%arg14 : memref<!tpu.dma_semaphore, #tpu.memory_space<semaphore_mem>>) src(%dma_wait3A_267 : memref<20000x64xf32, #tpu.memory_space<hbm>>) dst(%arg10 : memref<128x64xf32, #tpu.memory_space<vmem>>)
      %add3A_268 = arith.constant 1 : i32
      %add3A_269 = arith.addi %mul3A_237, %add3A_268 : i32
      "tpu.region"() ({
        %run_scoped3A_271 = tpu.sem_alloc : memref<!tpu.dma_semaphore, #tpu.memory_space<semaphore_mem>>
        %dma_start3A_272 = arith.constant 0 : i32
        %dma_start3A_273 = tpu.memref_slice %arg8[%add3A_269, %dma_start3A_272] : memref<158x128xi32, #tpu.memory_space<vmem>> -> memref<1x128xi32, #tpu.memory_space<vmem>>
        %dma_start3A_274 = tpu.memref_squeeze %dma_start3A_273 : memref<1x128xi32, #tpu.memory_space<vmem>> -> memref<128xi32, #tpu.memory_space<vmem>>
        %dma_start3A_275 = arith.constant 0 : i32
        %dma_start3A_276 = arith.constant 0 : i32
        %dma_start3A_277 = tpu.memref_slice %arg12[%dma_start3A_275, %dma_start3A_276] : memref<10240x64xf32, #tpu.memory_space<vmem_shared>> -> memref<10240x64xf32, #tpu.memory_space<vmem_shared>>
        tpu.enqueue_indirect_dma source(%arg10 : memref<128x64xf32, #tpu.memory_space<vmem>>) target(%dma_start3A_277 : memref<10240x64xf32, #tpu.memory_space<vmem_shared>>) offsets(%dma_start3A_274 : memref<128xi32, #tpu.memory_space<vmem>>) semaphore(%run_scoped3A_271 : memref<!tpu.dma_semaphore, #tpu.memory_space<semaphore_mem>>) {add = true}
        %dma_wait3A_278 = arith.constant 0 : i32
        %dma_wait3A_279 = tpu.memref_slice %arg8[%add3A_269, %dma_wait3A_278] : memref<158x128xi32, #tpu.memory_space<vmem>> -> memref<1x128xi32, #tpu.memory_space<vmem>>
        %dma_wait3A_280 = tpu.memref_squeeze %dma_wait3A_279 : memref<1x128xi32, #tpu.memory_space<vmem>> -> memref<128xi32, #tpu.memory_space<vmem>>
        %dma_wait3A_281 = arith.constant 0 : i32
        %dma_wait3A_282 = arith.constant 0 : i32
        %dma_wait3A_283 = tpu.memref_slice %arg12[%dma_wait3A_281, %dma_wait3A_282] : memref<10240x64xf32, #tpu.memory_space<vmem_shared>> -> memref<10240x64xf32, #tpu.memory_space<vmem_shared>>
        tpu.wait_indirect_dma semaphore(%run_scoped3A_271 : memref<!tpu.dma_semaphore, #tpu.memory_space<semaphore_mem>>) src(%arg10 : memref<128x64xf32, #tpu.memory_space<vmem>>) dst(%dma_wait3A_283 : memref<10240x64xf32, #tpu.memory_space<vmem_shared>>)
        tpu.yield
      }) : () -> ()
      %scan3A_270 = arith.constant 0 : i32
      scf.yield %scan3A_270 : i32
    }
    %scan3A_70 = arith.constant 78 : i32
    %dma_start3A_71 = arith.constant 157 : i32
    %dma_start3A_72 = arith.constant 0 : i32
    %dma_start3A_73 = tpu.memref_slice %arg7[%dma_start3A_71, %dma_start3A_72] : memref<158x128xi32, #tpu.memory_space<vmem>> -> memref<1x128xi32, #tpu.memory_space<vmem>>
    %dma_start3A_74 = tpu.memref_squeeze %dma_start3A_73 : memref<1x128xi32, #tpu.memory_space<vmem>> -> memref<128xi32, #tpu.memory_space<vmem>>
    %dma_start3A_75 = arith.constant 0 : i32
    %dma_start3A_76 = arith.constant 0 : i32
    %dma_start3A_77 = tpu.memref_slice %arg2[%dma_start3A_75, %dma_start3A_76] : memref<20000x64xf32, #tpu.memory_space<hbm>> -> memref<20000x64xf32, #tpu.memory_space<hbm>>
    tpu.enqueue_indirect_dma source(%dma_start3A_77 : memref<20000x64xf32, #tpu.memory_space<hbm>>) target(%arg10 : memref<128x64xf32, #tpu.memory_space<vmem>>) offsets(%dma_start3A_74 : memref<128xi32, #tpu.memory_space<vmem>>) semaphore(%arg14 : memref<!tpu.dma_semaphore, #tpu.memory_space<semaphore_mem>>)
    %dma_wait3A_78 = arith.constant 156 : i32
    %dma_wait3A_79 = arith.constant 0 : i32
    %dma_wait3A_80 = tpu.memref_slice %arg7[%dma_wait3A_78, %dma_wait3A_79] : memref<158x128xi32, #tpu.memory_space<vmem>> -> memref<1x128xi32, #tpu.memory_space<vmem>>
    %dma_wait3A_81 = tpu.memref_squeeze %dma_wait3A_80 : memref<1x128xi32, #tpu.memory_space<vmem>> -> memref<128xi32, #tpu.memory_space<vmem>>
    %dma_wait3A_82 = arith.constant 0 : i32
    %dma_wait3A_83 = arith.constant 0 : i32
    %dma_wait3A_84 = tpu.memref_slice %arg2[%dma_wait3A_82, %dma_wait3A_83] : memref<20000x64xf32, #tpu.memory_space<hbm>> -> memref<20000x64xf32, #tpu.memory_space<hbm>>
    tpu.wait_indirect_dma semaphore(%arg13 : memref<!tpu.dma_semaphore, #tpu.memory_space<semaphore_mem>>) src(%dma_wait3A_84 : memref<20000x64xf32, #tpu.memory_space<hbm>>) dst(%arg9 : memref<128x64xf32, #tpu.memory_space<vmem>>)
    %run_scoped3A = arith.constant 156 : i32
    "tpu.region"() ({
      %run_scoped3A_234 = tpu.sem_alloc : memref<!tpu.dma_semaphore, #tpu.memory_space<semaphore_mem>>
      %dma_start3A_235 = arith.constant 0 : i32
      %dma_start3A_236 = tpu.memref_slice %arg8[%run_scoped3A, %dma_start3A_235] : memref<158x128xi32, #tpu.memory_space<vmem>> -> memref<1x128xi32, #tpu.memory_space<vmem>>
      %dma_start3A_237 = tpu.memref_squeeze %dma_start3A_236 : memref<1x128xi32, #tpu.memory_space<vmem>> -> memref<128xi32, #tpu.memory_space<vmem>>
      %dma_start3A_238 = arith.constant 0 : i32
      %dma_start3A_239 = arith.constant 0 : i32
      %dma_start3A_240 = tpu.memref_slice %arg12[%dma_start3A_238, %dma_start3A_239] : memref<10240x64xf32, #tpu.memory_space<vmem_shared>> -> memref<10240x64xf32, #tpu.memory_space<vmem_shared>>
      tpu.enqueue_indirect_dma source(%arg9 : memref<128x64xf32, #tpu.memory_space<vmem>>) target(%dma_start3A_240 : memref<10240x64xf32, #tpu.memory_space<vmem_shared>>) offsets(%dma_start3A_237 : memref<128xi32, #tpu.memory_space<vmem>>) semaphore(%run_scoped3A_234 : memref<!tpu.dma_semaphore, #tpu.memory_space<semaphore_mem>>) {add = true}
      %dma_wait3A_241 = arith.constant 0 : i32
      %dma_wait3A_242 = tpu.memref_slice %arg8[%run_scoped3A, %dma_wait3A_241] : memref<158x128xi32, #tpu.memory_space<vmem>> -> memref<1x128xi32, #tpu.memory_space<vmem>>
      %dma_wait3A_243 = tpu.memref_squeeze %dma_wait3A_242 : memref<1x128xi32, #tpu.memory_space<vmem>> -> memref<128xi32, #tpu.memory_space<vmem>>
      %dma_wait3A_244 = arith.constant 0 : i32
      %dma_wait3A_245 = arith.constant 0 : i32
      %dma_wait3A_246 = tpu.memref_slice %arg12[%dma_wait3A_244, %dma_wait3A_245] : memref<10240x64xf32, #tpu.memory_space<vmem_shared>> -> memref<10240x64xf32, #tpu.memory_space<vmem_shared>>
      tpu.wait_indirect_dma semaphore(%run_scoped3A_234 : memref<!tpu.dma_semaphore, #tpu.memory_space<semaphore_mem>>) src(%arg9 : memref<128x64xf32, #tpu.memory_space<vmem>>) dst(%dma_wait3A_246 : memref<10240x64xf32, #tpu.memory_space<vmem_shared>>)
      tpu.yield
    }) : () -> ()
    %dma_wait3A_85 = arith.constant 157 : i32
    %dma_wait3A_86 = arith.constant 0 : i32
    %dma_wait3A_87 = tpu.memref_slice %arg7[%dma_wait3A_85, %dma_wait3A_86] : memref<158x128xi32, #tpu.memory_space<vmem>> -> memref<1x128xi32, #tpu.memory_space<vmem>>
    %dma_wait3A_88 = tpu.memref_squeeze %dma_wait3A_87 : memref<1x128xi32, #tpu.memory_space<vmem>> -> memref<128xi32, #tpu.memory_space<vmem>>
    %dma_wait3A_89 = arith.constant 0 : i32
    %dma_wait3A_90 = arith.constant 0 : i32
    %dma_wait3A_91 = tpu.memref_slice %arg2[%dma_wait3A_89, %dma_wait3A_90] : memref<20000x64xf32, #tpu.memory_space<hbm>> -> memref<20000x64xf32, #tpu.memory_space<hbm>>
    tpu.wait_indirect_dma semaphore(%arg14 : memref<!tpu.dma_semaphore, #tpu.memory_space<semaphore_mem>>) src(%dma_wait3A_91 : memref<20000x64xf32, #tpu.memory_space<hbm>>) dst(%arg10 : memref<128x64xf32, #tpu.memory_space<vmem>>)
    %run_scoped3A_92 = arith.constant 157 : i32
    "tpu.region"() ({
      %run_scoped3A_234 = tpu.sem_alloc : memref<!tpu.dma_semaphore, #tpu.memory_space<semaphore_mem>>
      %dma_start3A_235 = arith.constant 0 : i32
      %dma_start3A_236 = tpu.memref_slice %arg8[%run_scoped3A_92, %dma_start3A_235] : memref<158x128xi32, #tpu.memory_space<vmem>> -> memref<1x128xi32, #tpu.memory_space<vmem>>
      %dma_start3A_237 = tpu.memref_squeeze %dma_start3A_236 : memref<1x128xi32, #tpu.memory_space<vmem>> -> memref<128xi32, #tpu.memory_space<vmem>>
      %dma_start3A_238 = arith.constant 0 : i32
      %dma_start3A_239 = arith.constant 0 : i32
      %dma_start3A_240 = tpu.memref_slice %arg12[%dma_start3A_238, %dma_start3A_239] : memref<10240x64xf32, #tpu.memory_space<vmem_shared>> -> memref<10240x64xf32, #tpu.memory_space<vmem_shared>>
      tpu.enqueue_indirect_dma source(%arg10 : memref<128x64xf32, #tpu.memory_space<vmem>>) target(%dma_start3A_240 : memref<10240x64xf32, #tpu.memory_space<vmem_shared>>) offsets(%dma_start3A_237 : memref<128xi32, #tpu.memory_space<vmem>>) semaphore(%run_scoped3A_234 : memref<!tpu.dma_semaphore, #tpu.memory_space<semaphore_mem>>) {add = true}
      %dma_wait3A_241 = arith.constant 0 : i32
      %dma_wait3A_242 = tpu.memref_slice %arg8[%run_scoped3A_92, %dma_wait3A_241] : memref<158x128xi32, #tpu.memory_space<vmem>> -> memref<1x128xi32, #tpu.memory_space<vmem>>
      %dma_wait3A_243 = tpu.memref_squeeze %dma_wait3A_242 : memref<1x128xi32, #tpu.memory_space<vmem>> -> memref<128xi32, #tpu.memory_space<vmem>>
      %dma_wait3A_244 = arith.constant 0 : i32
      %dma_wait3A_245 = arith.constant 0 : i32
      %dma_wait3A_246 = tpu.memref_slice %arg12[%dma_wait3A_244, %dma_wait3A_245] : memref<10240x64xf32, #tpu.memory_space<vmem_shared>> -> memref<10240x64xf32, #tpu.memory_space<vmem_shared>>
      tpu.wait_indirect_dma semaphore(%run_scoped3A_234 : memref<!tpu.dma_semaphore, #tpu.memory_space<semaphore_mem>>) src(%arg10 : memref<128x64xf32, #tpu.memory_space<vmem>>) dst(%dma_wait3A_246 : memref<10240x64xf32, #tpu.memory_space<vmem_shared>>)
      tpu.yield
    }) : () -> ()
    %barrier3A_93 = arith.constant 0 : index
    tpu.barrier barrier_id(%barrier3A_93)
    %add3A_94 = arith.constant 0 : i32
    %add3A_95 = arith.addi %mul3A_0, %add3A_94 : i32
    %dma_start3A_96 = arith.constant 0 : i32
    %dma_start3A_97 = tpu.memref_slice %arg12[%add3A_95, %dma_start3A_96] : memref<10240x64xf32, #tpu.memory_space<vmem_shared>> -> memref<128x64xf32, #tpu.memory_space<vmem_shared>>
    %dma_start3A_98 = arith.constant 0 : i32
    %dma_start3A_99 = tpu.memref_slice %arg12[%add3A_95, %dma_start3A_98] : memref<10240x64xf32, #tpu.memory_space<vmem_shared>> -> memref<128x64xf32, #tpu.memory_space<vmem_shared>>
    tpu.enqueue_dma source(%dma_start3A_99 : memref<128x64xf32, #tpu.memory_space<vmem_shared>>) target(%arg9 : memref<128x64xf32, #tpu.memory_space<vmem>>) target_semaphore(%arg13 : memref<!tpu.dma_semaphore, #tpu.memory_space<semaphore_mem>>)
    %add3A_100 = arith.constant 0 : i32
    %add3A_101 = arith.addi %mul3A_0, %add3A_100 : i32
    %dma_wait3A_102 = arith.constant 0 : i32
    %dma_wait3A_103 = tpu.memref_slice %arg12[%add3A_101, %dma_wait3A_102] : memref<10240x64xf32, #tpu.memory_space<vmem_shared>> -> memref<128x64xf32, #tpu.memory_space<vmem_shared>>
    %dma_wait3A_104 = arith.constant 0 : i32
    %dma_wait3A_105 = tpu.memref_slice %arg12[%add3A_101, %dma_wait3A_104] : memref<10240x64xf32, #tpu.memory_space<vmem_shared>> -> memref<128x64xf32, #tpu.memory_space<vmem_shared>>
    tpu.wait_dma2 semaphore(%arg13 : memref<!tpu.dma_semaphore, #tpu.memory_space<semaphore_mem>>) src(%dma_wait3A_105 : memref<128x64xf32, #tpu.memory_space<vmem_shared>>) dst(%arg9 : memref<128x64xf32, #tpu.memory_space<vmem>>)
    %add3A_106 = arith.constant 0 : i32
    %add3A_107 = arith.addi %mul3A_0, %add3A_106 : i32
    %dma_start3A_108 = arith.constant 0 : i32
    %dma_start3A_109 = tpu.memref_slice %arg6[%arg0, %add3A_107, %dma_start3A_108] : memref<2x10240x64xf32, #tpu.memory_space<hbm>> -> memref<1x128x64xf32, #tpu.memory_space<hbm>>
    %dma_start3A_110 = tpu.memref_squeeze %dma_start3A_109 : memref<1x128x64xf32, #tpu.memory_space<hbm>> -> memref<128x64xf32, #tpu.memory_space<hbm>>
    %dma_start3A_111 = arith.constant 0 : i32
    %dma_start3A_112 = tpu.memref_slice %arg6[%arg0, %add3A_107, %dma_start3A_111] : memref<2x10240x64xf32, #tpu.memory_space<hbm>> -> memref<1x128x64xf32, #tpu.memory_space<hbm>>
    %dma_start3A_113 = tpu.memref_squeeze %dma_start3A_112 : memref<1x128x64xf32, #tpu.memory_space<hbm>> -> memref<128x64xf32, #tpu.memory_space<hbm>>
    tpu.enqueue_dma source(%arg9 : memref<128x64xf32, #tpu.memory_space<vmem>>) target(%dma_start3A_113 : memref<128x64xf32, #tpu.memory_space<hbm>>) target_semaphore(%arg13 : memref<!tpu.dma_semaphore, #tpu.memory_space<semaphore_mem>>)
    %add3A_114 = arith.constant 128 : i32
    %add3A_115 = arith.addi %mul3A_0, %add3A_114 : i32
    %dma_start3A_116 = arith.constant 0 : i32
    %dma_start3A_117 = tpu.memref_slice %arg12[%add3A_115, %dma_start3A_116] : memref<10240x64xf32, #tpu.memory_space<vmem_shared>> -> memref<128x64xf32, #tpu.memory_space<vmem_shared>>
    %dma_start3A_118 = arith.constant 0 : i32
    %dma_start3A_119 = tpu.memref_slice %arg12[%add3A_115, %dma_start3A_118] : memref<10240x64xf32, #tpu.memory_space<vmem_shared>> -> memref<128x64xf32, #tpu.memory_space<vmem_shared>>
    tpu.enqueue_dma source(%dma_start3A_119 : memref<128x64xf32, #tpu.memory_space<vmem_shared>>) target(%arg10 : memref<128x64xf32, #tpu.memory_space<vmem>>) target_semaphore(%arg14 : memref<!tpu.dma_semaphore, #tpu.memory_space<semaphore_mem>>)
    %add3A_120 = arith.constant 128 : i32
    %add3A_121 = arith.addi %mul3A_0, %add3A_120 : i32
    %dma_wait3A_122 = arith.constant 0 : i32
    %dma_wait3A_123 = tpu.memref_slice %arg12[%add3A_121, %dma_wait3A_122] : memref<10240x64xf32, #tpu.memory_space<vmem_shared>> -> memref<128x64xf32, #tpu.memory_space<vmem_shared>>
    %dma_wait3A_124 = arith.constant 0 : i32
    %dma_wait3A_125 = tpu.memref_slice %arg12[%add3A_121, %dma_wait3A_124] : memref<10240x64xf32, #tpu.memory_space<vmem_shared>> -> memref<128x64xf32, #tpu.memory_space<vmem_shared>>
    tpu.wait_dma2 semaphore(%arg14 : memref<!tpu.dma_semaphore, #tpu.memory_space<semaphore_mem>>) src(%dma_wait3A_125 : memref<128x64xf32, #tpu.memory_space<vmem_shared>>) dst(%arg10 : memref<128x64xf32, #tpu.memory_space<vmem>>)
    %add3A_126 = arith.constant 128 : i32
    %add3A_127 = arith.addi %mul3A_0, %add3A_126 : i32
    %dma_start3A_128 = arith.constant 0 : i32
    %dma_start3A_129 = tpu.memref_slice %arg6[%arg0, %add3A_127, %dma_start3A_128] : memref<2x10240x64xf32, #tpu.memory_space<hbm>> -> memref<1x128x64xf32, #tpu.memory_space<hbm>>
    %dma_start3A_130 = tpu.memref_squeeze %dma_start3A_129 : memref<1x128x64xf32, #tpu.memory_space<hbm>> -> memref<128x64xf32, #tpu.memory_space<hbm>>
    %dma_start3A_131 = arith.constant 0 : i32
    %dma_start3A_132 = tpu.memref_slice %arg6[%arg0, %add3A_127, %dma_start3A_131] : memref<2x10240x64xf32, #tpu.memory_space<hbm>> -> memref<1x128x64xf32, #tpu.memory_space<hbm>>
    %dma_start3A_133 = tpu.memref_squeeze %dma_start3A_132 : memref<1x128x64xf32, #tpu.memory_space<hbm>> -> memref<128x64xf32, #tpu.memory_space<hbm>>
    tpu.enqueue_dma source(%arg10 : memref<128x64xf32, #tpu.memory_space<vmem>>) target(%dma_start3A_133 : memref<128x64xf32, #tpu.memory_space<hbm>>) target_semaphore(%arg14 : memref<!tpu.dma_semaphore, #tpu.memory_space<semaphore_mem>>)
    %add3A_134 = arith.constant 0 : i32
    %add3A_135 = arith.addi %mul3A_0, %add3A_134 : i32
    %dma_wait3A_136 = arith.constant 0 : i32
    %dma_wait3A_137 = tpu.memref_slice %arg6[%arg0, %add3A_135, %dma_wait3A_136] : memref<2x10240x64xf32, #tpu.memory_space<hbm>> -> memref<1x128x64xf32, #tpu.memory_space<hbm>>
    %dma_wait3A_138 = tpu.memref_squeeze %dma_wait3A_137 : memref<1x128x64xf32, #tpu.memory_space<hbm>> -> memref<128x64xf32, #tpu.memory_space<hbm>>
    %dma_wait3A_139 = arith.constant 0 : i32
    %dma_wait3A_140 = tpu.memref_slice %arg6[%arg0, %add3A_135, %dma_wait3A_139] : memref<2x10240x64xf32, #tpu.memory_space<hbm>> -> memref<1x128x64xf32, #tpu.memory_space<hbm>>
    %dma_wait3A_141 = tpu.memref_squeeze %dma_wait3A_140 : memref<1x128x64xf32, #tpu.memory_space<hbm>> -> memref<128x64xf32, #tpu.memory_space<hbm>>
    tpu.wait_dma2 semaphore(%arg13 : memref<!tpu.dma_semaphore, #tpu.memory_space<semaphore_mem>>) src(%arg9 : memref<128x64xf32, #tpu.memory_space<vmem>>) dst(%dma_wait3A_141 : memref<128x64xf32, #tpu.memory_space<hbm>>)
    %add3A_142 = arith.constant 256 : i32
    %add3A_143 = arith.addi %mul3A_0, %add3A_142 : i32
    %dma_start3A_144 = arith.constant 0 : i32
    %dma_start3A_145 = tpu.memref_slice %arg12[%add3A_143, %dma_start3A_144] : memref<10240x64xf32, #tpu.memory_space<vmem_shared>> -> memref<128x64xf32, #tpu.memory_space<vmem_shared>>
    %dma_start3A_146 = arith.constant 0 : i32
    %dma_start3A_147 = tpu.memref_slice %arg12[%add3A_143, %dma_start3A_146] : memref<10240x64xf32, #tpu.memory_space<vmem_shared>> -> memref<128x64xf32, #tpu.memory_space<vmem_shared>>
    tpu.enqueue_dma source(%dma_start3A_147 : memref<128x64xf32, #tpu.memory_space<vmem_shared>>) target(%arg9 : memref<128x64xf32, #tpu.memory_space<vmem>>) target_semaphore(%arg13 : memref<!tpu.dma_semaphore, #tpu.memory_space<semaphore_mem>>)
    %add3A_148 = arith.constant 256 : i32
    %add3A_149 = arith.addi %mul3A_0, %add3A_148 : i32
    %dma_wait3A_150 = arith.constant 0 : i32
    %dma_wait3A_151 = tpu.memref_slice %arg12[%add3A_149, %dma_wait3A_150] : memref<10240x64xf32, #tpu.memory_space<vmem_shared>> -> memref<128x64xf32, #tpu.memory_space<vmem_shared>>
    %dma_wait3A_152 = arith.constant 0 : i32
    %dma_wait3A_153 = tpu.memref_slice %arg12[%add3A_149, %dma_wait3A_152] : memref<10240x64xf32, #tpu.memory_space<vmem_shared>> -> memref<128x64xf32, #tpu.memory_space<vmem_shared>>
    tpu.wait_dma2 semaphore(%arg13 : memref<!tpu.dma_semaphore, #tpu.memory_space<semaphore_mem>>) src(%dma_wait3A_153 : memref<128x64xf32, #tpu.memory_space<vmem_shared>>) dst(%arg9 : memref<128x64xf32, #tpu.memory_space<vmem>>)
    %add3A_154 = arith.constant 256 : i32
    %add3A_155 = arith.addi %mul3A_0, %add3A_154 : i32
    %dma_start3A_156 = arith.constant 0 : i32
    %dma_start3A_157 = tpu.memref_slice %arg6[%arg0, %add3A_155, %dma_start3A_156] : memref<2x10240x64xf32, #tpu.memory_space<hbm>> -> memref<1x128x64xf32, #tpu.memory_space<hbm>>
    %dma_start3A_158 = tpu.memref_squeeze %dma_start3A_157 : memref<1x128x64xf32, #tpu.memory_space<hbm>> -> memref<128x64xf32, #tpu.memory_space<hbm>>
    %dma_start3A_159 = arith.constant 0 : i32
    %dma_start3A_160 = tpu.memref_slice %arg6[%arg0, %add3A_155, %dma_start3A_159] : memref<2x10240x64xf32, #tpu.memory_space<hbm>> -> memref<1x128x64xf32, #tpu.memory_space<hbm>>
    %dma_start3A_161 = tpu.memref_squeeze %dma_start3A_160 : memref<1x128x64xf32, #tpu.memory_space<hbm>> -> memref<128x64xf32, #tpu.memory_space<hbm>>
    tpu.enqueue_dma source(%arg9 : memref<128x64xf32, #tpu.memory_space<vmem>>) target(%dma_start3A_161 : memref<128x64xf32, #tpu.memory_space<hbm>>) target_semaphore(%arg13 : memref<!tpu.dma_semaphore, #tpu.memory_space<semaphore_mem>>)
    %add3A_162 = arith.constant 128 : i32
    %add3A_163 = arith.addi %mul3A_0, %add3A_162 : i32
    %dma_wait3A_164 = arith.constant 0 : i32
    %dma_wait3A_165 = tpu.memref_slice %arg6[%arg0, %add3A_163, %dma_wait3A_164] : memref<2x10240x64xf32, #tpu.memory_space<hbm>> -> memref<1x128x64xf32, #tpu.memory_space<hbm>>
    %dma_wait3A_166 = tpu.memref_squeeze %dma_wait3A_165 : memref<1x128x64xf32, #tpu.memory_space<hbm>> -> memref<128x64xf32, #tpu.memory_space<hbm>>
    %dma_wait3A_167 = arith.constant 0 : i32
    %dma_wait3A_168 = tpu.memref_slice %arg6[%arg0, %add3A_163, %dma_wait3A_167] : memref<2x10240x64xf32, #tpu.memory_space<hbm>> -> memref<1x128x64xf32, #tpu.memory_space<hbm>>
    %dma_wait3A_169 = tpu.memref_squeeze %dma_wait3A_168 : memref<1x128x64xf32, #tpu.memory_space<hbm>> -> memref<128x64xf32, #tpu.memory_space<hbm>>
    tpu.wait_dma2 semaphore(%arg14 : memref<!tpu.dma_semaphore, #tpu.memory_space<semaphore_mem>>) src(%arg10 : memref<128x64xf32, #tpu.memory_space<vmem>>) dst(%dma_wait3A_169 : memref<128x64xf32, #tpu.memory_space<hbm>>)
    %add3A_170 = arith.constant 384 : i32
    %add3A_171 = arith.addi %mul3A_0, %add3A_170 : i32
    %dma_start3A_172 = arith.constant 0 : i32
    %dma_start3A_173 = tpu.memref_slice %arg12[%add3A_171, %dma_start3A_172] : memref<10240x64xf32, #tpu.memory_space<vmem_shared>> -> memref<128x64xf32, #tpu.memory_space<vmem_shared>>
    %dma_start3A_174 = arith.constant 0 : i32
    %dma_start3A_175 = tpu.memref_slice %arg12[%add3A_171, %dma_start3A_174] : memref<10240x64xf32, #tpu.memory_space<vmem_shared>> -> memref<128x64xf32, #tpu.memory_space<vmem_shared>>
    tpu.enqueue_dma source(%dma_start3A_175 : memref<128x64xf32, #tpu.memory_space<vmem_shared>>) target(%arg10 : memref<128x64xf32, #tpu.memory_space<vmem>>) target_semaphore(%arg14 : memref<!tpu.dma_semaphore, #tpu.memory_space<semaphore_mem>>)
    %add3A_176 = arith.constant 384 : i32
    %add3A_177 = arith.addi %mul3A_0, %add3A_176 : i32
    %dma_wait3A_178 = arith.constant 0 : i32
    %dma_wait3A_179 = tpu.memref_slice %arg12[%add3A_177, %dma_wait3A_178] : memref<10240x64xf32, #tpu.memory_space<vmem_shared>> -> memref<128x64xf32, #tpu.memory_space<vmem_shared>>
    %dma_wait3A_180 = arith.constant 0 : i32
    %dma_wait3A_181 = tpu.memref_slice %arg12[%add3A_177, %dma_wait3A_180] : memref<10240x64xf32, #tpu.memory_space<vmem_shared>> -> memref<128x64xf32, #tpu.memory_space<vmem_shared>>
    tpu.wait_dma2 semaphore(%arg14 : memref<!tpu.dma_semaphore, #tpu.memory_space<semaphore_mem>>) src(%dma_wait3A_181 : memref<128x64xf32, #tpu.memory_space<vmem_shared>>) dst(%arg10 : memref<128x64xf32, #tpu.memory_space<vmem>>)
    %add3A_182 = arith.constant 384 : i32
    %add3A_183 = arith.addi %mul3A_0, %add3A_182 : i32
    %dma_start3A_184 = arith.constant 0 : i32
    %dma_start3A_185 = tpu.memref_slice %arg6[%arg0, %add3A_183, %dma_start3A_184] : memref<2x10240x64xf32, #tpu.memory_space<hbm>> -> memref<1x128x64xf32, #tpu.memory_space<hbm>>
    %dma_start3A_186 = tpu.memref_squeeze %dma_start3A_185 : memref<1x128x64xf32, #tpu.memory_space<hbm>> -> memref<128x64xf32, #tpu.memory_space<hbm>>
    %dma_start3A_187 = arith.constant 0 : i32
    %dma_start3A_188 = tpu.memref_slice %arg6[%arg0, %add3A_183, %dma_start3A_187] : memref<2x10240x64xf32, #tpu.memory_space<hbm>> -> memref<1x128x64xf32, #tpu.memory_space<hbm>>
    %dma_start3A_189 = tpu.memref_squeeze %dma_start3A_188 : memref<1x128x64xf32, #tpu.memory_space<hbm>> -> memref<128x64xf32, #tpu.memory_space<hbm>>
    tpu.enqueue_dma source(%arg10 : memref<128x64xf32, #tpu.memory_space<vmem>>) target(%dma_start3A_189 : memref<128x64xf32, #tpu.memory_space<hbm>>) target_semaphore(%arg14 : memref<!tpu.dma_semaphore, #tpu.memory_space<semaphore_mem>>)
    %add3A_190 = arith.constant 256 : i32
    %add3A_191 = arith.addi %mul3A_0, %add3A_190 : i32
    %dma_wait3A_192 = arith.constant 0 : i32
    %dma_wait3A_193 = tpu.memref_slice %arg6[%arg0, %add3A_191, %dma_wait3A_192] : memref<2x10240x64xf32, #tpu.memory_space<hbm>> -> memref<1x128x64xf32, #tpu.memory_space<hbm>>
    %dma_wait3A_194 = tpu.memref_squeeze %dma_wait3A_193 : memref<1x128x64xf32, #tpu.memory_space<hbm>> -> memref<128x64xf32, #tpu.memory_space<hbm>>
    %dma_wait3A_195 = arith.constant 0 : i32
    %dma_wait3A_196 = tpu.memref_slice %arg6[%arg0, %add3A_191, %dma_wait3A_195] : memref<2x10240x64xf32, #tpu.memory_space<hbm>> -> memref<1x128x64xf32, #tpu.memory_space<hbm>>
    %dma_wait3A_197 = tpu.memref_squeeze %dma_wait3A_196 : memref<1x128x64xf32, #tpu.memory_space<hbm>> -> memref<128x64xf32, #tpu.memory_space<hbm>>
    tpu.wait_dma2 semaphore(%arg13 : memref<!tpu.dma_semaphore, #tpu.memory_space<semaphore_mem>>) src(%arg9 : memref<128x64xf32, #tpu.memory_space<vmem>>) dst(%dma_wait3A_197 : memref<128x64xf32, #tpu.memory_space<hbm>>)
    %add3A_198 = arith.constant 512 : i32
    %add3A_199 = arith.addi %mul3A_0, %add3A_198 : i32
    %dma_start3A_200 = arith.constant 0 : i32
    %dma_start3A_201 = tpu.memref_slice %arg12[%add3A_199, %dma_start3A_200] : memref<10240x64xf32, #tpu.memory_space<vmem_shared>> -> memref<128x64xf32, #tpu.memory_space<vmem_shared>>
    %dma_start3A_202 = arith.constant 0 : i32
    %dma_start3A_203 = tpu.memref_slice %arg12[%add3A_199, %dma_start3A_202] : memref<10240x64xf32, #tpu.memory_space<vmem_shared>> -> memref<128x64xf32, #tpu.memory_space<vmem_shared>>
    tpu.enqueue_dma source(%dma_start3A_203 : memref<128x64xf32, #tpu.memory_space<vmem_shared>>) target(%arg9 : memref<128x64xf32, #tpu.memory_space<vmem>>) target_semaphore(%arg13 : memref<!tpu.dma_semaphore, #tpu.memory_space<semaphore_mem>>)
    %add3A_204 = arith.constant 512 : i32
    %add3A_205 = arith.addi %mul3A_0, %add3A_204 : i32
    %dma_wait3A_206 = arith.constant 0 : i32
    %dma_wait3A_207 = tpu.memref_slice %arg12[%add3A_205, %dma_wait3A_206] : memref<10240x64xf32, #tpu.memory_space<vmem_shared>> -> memref<128x64xf32, #tpu.memory_space<vmem_shared>>
    %dma_wait3A_208 = arith.constant 0 : i32
    %dma_wait3A_209 = tpu.memref_slice %arg12[%add3A_205, %dma_wait3A_208] : memref<10240x64xf32, #tpu.memory_space<vmem_shared>> -> memref<128x64xf32, #tpu.memory_space<vmem_shared>>
    tpu.wait_dma2 semaphore(%arg13 : memref<!tpu.dma_semaphore, #tpu.memory_space<semaphore_mem>>) src(%dma_wait3A_209 : memref<128x64xf32, #tpu.memory_space<vmem_shared>>) dst(%arg9 : memref<128x64xf32, #tpu.memory_space<vmem>>)
    %add3A_210 = arith.constant 512 : i32
    %add3A_211 = arith.addi %mul3A_0, %add3A_210 : i32
    %dma_start3A_212 = arith.constant 0 : i32
    %dma_start3A_213 = tpu.memref_slice %arg6[%arg0, %add3A_211, %dma_start3A_212] : memref<2x10240x64xf32, #tpu.memory_space<hbm>> -> memref<1x128x64xf32, #tpu.memory_space<hbm>>
    %dma_start3A_214 = tpu.memref_squeeze %dma_start3A_213 : memref<1x128x64xf32, #tpu.memory_space<hbm>> -> memref<128x64xf32, #tpu.memory_space<hbm>>
    %dma_start3A_215 = arith.constant 0 : i32
    %dma_start3A_216 = tpu.memref_slice %arg6[%arg0, %add3A_211, %dma_start3A_215] : memref<2x10240x64xf32, #tpu.memory_space<hbm>> -> memref<1x128x64xf32, #tpu.memory_space<hbm>>
    %dma_start3A_217 = tpu.memref_squeeze %dma_start3A_216 : memref<1x128x64xf32, #tpu.memory_space<hbm>> -> memref<128x64xf32, #tpu.memory_space<hbm>>
    tpu.enqueue_dma source(%arg9 : memref<128x64xf32, #tpu.memory_space<vmem>>) target(%dma_start3A_217 : memref<128x64xf32, #tpu.memory_space<hbm>>) target_semaphore(%arg13 : memref<!tpu.dma_semaphore, #tpu.memory_space<semaphore_mem>>)
    %add3A_218 = arith.constant 384 : i32
    %add3A_219 = arith.addi %mul3A_0, %add3A_218 : i32
    %dma_wait3A_220 = arith.constant 0 : i32
    %dma_wait3A_221 = tpu.memref_slice %arg6[%arg0, %add3A_219, %dma_wait3A_220] : memref<2x10240x64xf32, #tpu.memory_space<hbm>> -> memref<1x128x64xf32, #tpu.memory_space<hbm>>
    %dma_wait3A_222 = tpu.memref_squeeze %dma_wait3A_221 : memref<1x128x64xf32, #tpu.memory_space<hbm>> -> memref<128x64xf32, #tpu.memory_space<hbm>>
    %dma_wait3A_223 = arith.constant 0 : i32
    %dma_wait3A_224 = tpu.memref_slice %arg6[%arg0, %add3A_219, %dma_wait3A_223] : memref<2x10240x64xf32, #tpu.memory_space<hbm>> -> memref<1x128x64xf32, #tpu.memory_space<hbm>>
    %dma_wait3A_225 = tpu.memref_squeeze %dma_wait3A_224 : memref<1x128x64xf32, #tpu.memory_space<hbm>> -> memref<128x64xf32, #tpu.memory_space<hbm>>
    tpu.wait_dma2 semaphore(%arg14 : memref<!tpu.dma_semaphore, #tpu.memory_space<semaphore_mem>>) src(%arg10 : memref<128x64xf32, #tpu.memory_space<vmem>>) dst(%dma_wait3A_225 : memref<128x64xf32, #tpu.memory_space<hbm>>)
    %add3A_226 = arith.constant 512 : i32
    %add3A_227 = arith.addi %mul3A_0, %add3A_226 : i32
    %dma_wait3A_228 = arith.constant 0 : i32
    %dma_wait3A_229 = tpu.memref_slice %arg6[%arg0, %add3A_227, %dma_wait3A_228] : memref<2x10240x64xf32, #tpu.memory_space<hbm>> -> memref<1x128x64xf32, #tpu.memory_space<hbm>>
    %dma_wait3A_230 = tpu.memref_squeeze %dma_wait3A_229 : memref<1x128x64xf32, #tpu.memory_space<hbm>> -> memref<128x64xf32, #tpu.memory_space<hbm>>
    %dma_wait3A_231 = arith.constant 0 : i32
    %dma_wait3A_232 = tpu.memref_slice %arg6[%arg0, %add3A_227, %dma_wait3A_231] : memref<2x10240x64xf32, #tpu.memory_space<hbm>> -> memref<1x128x64xf32, #tpu.memory_space<hbm>>
    %dma_wait3A_233 = tpu.memref_squeeze %dma_wait3A_232 : memref<1x128x64xf32, #tpu.memory_space<hbm>> -> memref<128x64xf32, #tpu.memory_space<hbm>>
    tpu.wait_dma2 semaphore(%arg13 : memref<!tpu.dma_semaphore, #tpu.memory_space<semaphore_mem>>) src(%arg9 : memref<128x64xf32, #tpu.memory_space<vmem>>) dst(%dma_wait3A_233 : memref<128x64xf32, #tpu.memory_space<hbm>>)
    return
  }
}

module attributes {stable_mosaic.version = 14 : i64} {
  func.func @_pre_body(%arg0: i32, %arg1: memref<2000x128xf32, #tpu.memory_space<vmem>>, %arg2: memref<1x128xf32, #tpu.memory_space<vmem>>, %arg3: memref<1x128xf32, #tpu.memory_space<vmem>>, %arg4: memref<2x2000x64xf32, #tpu.memory_space<vmem>>) attributes {dimension_semantics = [#tpu.dimension_semantics<arbitrary>], iteration_bounds = array<i64: 5>, scalar_prefetch = 0 : i64, scratch_operands = 0 : i64, tpu.core_type = #tpu.core_type<tc>, window_params = [{transform_indices = @transform_0, window_bounds = array<i64: 2000, 128>}, {pipeline_mode = #tpu.pipeline_mode<synchronous>, transform_indices = @transform_1, window_bounds = array<i64: 1, 128>}, {pipeline_mode = #tpu.pipeline_mode<synchronous>, transform_indices = @transform_2, window_bounds = array<i64: 1, 128>}, {transform_indices = @transform_3, window_bounds = array<i64: 2, 2000, 64>}]} {
    %get3A = arith.constant 0 : index
    %get3A_0 = arith.constant 0 : index
    %get3A_1 = vector.load %arg1[%get3A, %get3A_0] : memref<2000x128xf32, #tpu.memory_space<vmem>>, vector<2000x128xf32>
    %reduce_sum3A = arith.constant dense<0.000000e+00> : vector<2000xf32>
    %reduce_sum3A_2 = vector.multi_reduction <add>, %get3A_1, %reduce_sum3A [1] : vector<2000x128xf32> to vector<2000xf32>
    %broadcast_in_dim3A = vector.shape_cast %reduce_sum3A_2 : vector<2000xf32> to vector<2000x1xf32>
    %div3A = arith.constant 1.280000e+02 : f32
    %div3A_3 = vector.broadcast %div3A : f32 to vector<2000x1xf32>
    %div3A_4 = arith.divf %broadcast_in_dim3A, %div3A_3 : vector<2000x1xf32>
    %sub3A = vector.broadcast %div3A_4 : vector<2000x1xf32> to vector<2000x128xf32>
    %sub3A_5 = arith.subf %get3A_1, %sub3A : vector<2000x128xf32>
    %sub3A_6 = vector.broadcast %div3A_4 : vector<2000x1xf32> to vector<2000x128xf32>
    %sub3A_7 = arith.subf %get3A_1, %sub3A_6 : vector<2000x128xf32>
    %mul3A = arith.mulf %sub3A_5, %sub3A_7 : vector<2000x128xf32>
    %reduce_sum3A_8 = arith.constant dense<0.000000e+00> : vector<2000xf32>
    %reduce_sum3A_9 = vector.multi_reduction <add>, %mul3A, %reduce_sum3A_8 [1] : vector<2000x128xf32> to vector<2000xf32>
    %broadcast_in_dim3A_10 = vector.shape_cast %reduce_sum3A_9 : vector<2000xf32> to vector<2000x1xf32>
    %div3A_11 = arith.constant 1.280000e+02 : f32
    %div3A_12 = vector.broadcast %div3A_11 : f32 to vector<2000x1xf32>
    %div3A_13 = arith.divf %broadcast_in_dim3A_10, %div3A_12 : vector<2000x1xf32>
    %sub3A_14 = vector.broadcast %div3A_4 : vector<2000x1xf32> to vector<2000x128xf32>
    %sub3A_15 = arith.subf %get3A_1, %sub3A_14 : vector<2000x128xf32>
    %add3A = arith.constant 9.99999997E-7 : f32
    %add3A_16 = vector.broadcast %add3A : f32 to vector<2000x1xf32>
    %add3A_17 = arith.addf %div3A_13, %add3A_16 : vector<2000x1xf32>
    %sqrt3A = math.sqrt %add3A_17 : vector<2000x1xf32>
    %div3A_18 = vector.broadcast %sqrt3A : vector<2000x1xf32> to vector<2000x128xf32>
    %div3A_19 = arith.divf %sub3A_15, %div3A_18 : vector<2000x128xf32>
    %get3A_20 = arith.constant 0 : index
    %get3A_21 = arith.constant 0 : index
    %get3A_22 = vector.load %arg2[%get3A_20, %get3A_21] : memref<1x128xf32, #tpu.memory_space<vmem>>, vector<1x128xf32>
    %mul3A_23 = vector.broadcast %get3A_22 : vector<1x128xf32> to vector<2000x128xf32>
    %mul3A_24 = arith.mulf %div3A_19, %mul3A_23 : vector<2000x128xf32>
    %get3A_25 = arith.constant 0 : index
    %get3A_26 = arith.constant 0 : index
    %get3A_27 = vector.load %arg3[%get3A_25, %get3A_26] : memref<1x128xf32, #tpu.memory_space<vmem>>, vector<1x128xf32>
    %add3A_28 = vector.broadcast %get3A_27 : vector<1x128xf32> to vector<2000x128xf32>
    %add3A_29 = arith.addf %mul3A_24, %add3A_28 : vector<2000x128xf32>
    %logistic3A = arith.negf %add3A_29 : vector<2000x128xf32>
    %logistic3A_30 = math.exp %logistic3A : vector<2000x128xf32>
    %logistic3A_31 = arith.constant 1.000000e+00 : f32
    %logistic3A_32 = vector.broadcast %logistic3A_31 : f32 to vector<2000x128xf32>
    %logistic3A_33 = arith.addf %logistic3A_32, %logistic3A_30 : vector<2000x128xf32>
    %logistic3A_34 = arith.divf %logistic3A_32, %logistic3A_33 : vector<2000x128xf32>
    %mul3A_35 = arith.mulf %add3A_29, %logistic3A_34 : vector<2000x128xf32>
    %reshape3A = vector.shape_cast %mul3A_35 : vector<2000x128xf32> to vector<2000x2x64xf32>
    %transpose3A = tpu.transpose %reshape3A, [1, 0, 2] : vector<2000x2x64xf32> -> vector<2x2000x64xf32>
    %swap3A = arith.constant 0 : index
    %swap3A_36 = arith.constant 0 : index
    %swap3A_37 = arith.constant 0 : index
    %swap3A_38 = vector.load %arg4[%swap3A, %swap3A_36, %swap3A_37] : memref<2x2000x64xf32, #tpu.memory_space<vmem>>, vector<2x2000x64xf32>
    tpu.vector_store %arg4[%swap3A, %swap3A_36, %swap3A_37], %transpose3A {strides = array<i32>} : memref<2x2000x64xf32, #tpu.memory_space<vmem>>, vector<2x2000x64xf32>,
    return
  }
  func.func @transform_0(%arg0: i32) -> (i32, i32) {
    %c0_i32 = arith.constant 0 : i32
    %c0_i32_0 = arith.constant 0 : i32
    return %arg0, %c0_i32 : i32, i32
  }
  func.func @transform_1(%arg0: i32) -> (i32, i32) {
    %c0_i32 = arith.constant 0 : i32
    %c0_i32_0 = arith.constant 0 : i32
    %c0_i32_1 = arith.constant 0 : i32
    return %c0_i32, %c0_i32_0 : i32, i32
  }
  func.func @transform_2(%arg0: i32) -> (i32, i32) {
    %c0_i32 = arith.constant 0 : i32
    %c0_i32_0 = arith.constant 0 : i32
    %c0_i32_1 = arith.constant 0 : i32
    return %c0_i32, %c0_i32_0 : i32, i32
  }
  func.func @transform_3(%arg0: i32) -> (i32, i32, i32) {
    %c0_i32 = arith.constant 0 : i32
    %c0_i32_0 = arith.constant 0 : i32
    %c0_i32_1 = arith.constant 0 : i32
    return %c0_i32, %arg0, %c0_i32_0 : i32, i32, i32
  }
}

module attributes {stable_mosaic.version = 14 : i64} {
  func.func @_mid_body(%arg0: i32, %arg1: memref<2x2000x64xf32, #tpu.memory_space<vmem>>, %arg2: memref<128x128xf32, #tpu.memory_space<vmem>>, %arg3: memref<1x128xf32, #tpu.memory_space<vmem>>, %arg4: memref<2x2000x64xf32, #tpu.memory_space<vmem>>) attributes {dimension_semantics = [#tpu.dimension_semantics<arbitrary>], iteration_bounds = array<i64: 5>, scalar_prefetch = 0 : i64, scratch_operands = 0 : i64, tpu.core_type = #tpu.core_type<tc>, window_params = [{transform_indices = @transform_0, window_bounds = array<i64: 2, 2000, 64>}, {pipeline_mode = #tpu.pipeline_mode<synchronous>, transform_indices = @transform_1, window_bounds = array<i64: 128, 128>}, {pipeline_mode = #tpu.pipeline_mode<synchronous>, transform_indices = @transform_2, window_bounds = array<i64: 1, 128>}, {transform_indices = @transform_3, window_bounds = array<i64: 2, 2000, 64>}]} {
    %get3A = arith.constant 0 : index
    %get3A_0 = arith.constant 0 : index
    %get3A_1 = arith.constant 0 : index
    %get3A_2 = vector.load %arg1[%get3A, %get3A_0, %get3A_1] : memref<2x2000x64xf32, #tpu.memory_space<vmem>>, vector<1x2000x64xf32>
    %get3A_3 = vector.shape_cast %get3A_2 : vector<1x2000x64xf32> to vector<2000x64xf32>
    %get3A_4 = arith.constant 1 : index
    %get3A_5 = arith.constant 0 : index
    %get3A_6 = arith.constant 0 : index
    %get3A_7 = vector.load %arg1[%get3A_4, %get3A_5, %get3A_6] : memref<2x2000x64xf32, #tpu.memory_space<vmem>>, vector<1x2000x64xf32>
    %get3A_8 = vector.shape_cast %get3A_7 : vector<1x2000x64xf32> to vector<2000x64xf32>
    %concatenate3A = tpu.concatenate %get3A_3, %get3A_8 in 1 : vector<2000x64xf32>, vector<2000x64xf32> -> vector<2000x128xf32>
    %get3A_9 = arith.constant 0 : index
    %get3A_10 = arith.constant 0 : index
    %get3A_11 = vector.load %arg2[%get3A_9, %get3A_10] : memref<128x128xf32, #tpu.memory_space<vmem>>, vector<128x128xf32>
    %dot_general3A = arith.constant dense<0.000000e+00> : vector<2000x128xf32>
    %dot_general3A_12 = tpu.matmul %concatenate3A, %get3A_11, %dot_general3A {dimension_numbers = #tpu.dot_dimension_numbers<[1], [0], [0], [1], [0, 0, 1, 1], [], []>, transpose_lhs_hint = false} : vector<2000x128xf32>, vector<128x128xf32>, vector<2000x128xf32> -> vector<2000x128xf32>
    %get3A_13 = arith.constant 0 : index
    %get3A_14 = arith.constant 0 : index
    %get3A_15 = vector.load %arg3[%get3A_13, %get3A_14] : memref<1x128xf32, #tpu.memory_space<vmem>>, vector<1x128xf32>
    %add3A = vector.broadcast %get3A_15 : vector<1x128xf32> to vector<2000x128xf32>
    %add3A_16 = arith.addf %dot_general3A_12, %add3A : vector<2000x128xf32>
    %reduce_sum3A = arith.constant dense<0.000000e+00> : vector<2000xf32>
    %reduce_sum3A_17 = vector.multi_reduction <add>, %add3A_16, %reduce_sum3A [1] : vector<2000x128xf32> to vector<2000xf32>
    %broadcast_in_dim3A = vector.shape_cast %reduce_sum3A_17 : vector<2000xf32> to vector<2000x1xf32>
    %div3A = arith.constant 1.280000e+02 : f32
    %div3A_18 = vector.broadcast %div3A : f32 to vector<2000x1xf32>
    %div3A_19 = arith.divf %broadcast_in_dim3A, %div3A_18 : vector<2000x1xf32>
    %sub3A = vector.broadcast %div3A_19 : vector<2000x1xf32> to vector<2000x128xf32>
    %sub3A_20 = arith.subf %add3A_16, %sub3A : vector<2000x128xf32>
    %sub3A_21 = vector.broadcast %div3A_19 : vector<2000x1xf32> to vector<2000x128xf32>
    %sub3A_22 = arith.subf %add3A_16, %sub3A_21 : vector<2000x128xf32>
    %mul3A = arith.mulf %sub3A_20, %sub3A_22 : vector<2000x128xf32>
    %reduce_sum3A_23 = arith.constant dense<0.000000e+00> : vector<2000xf32>
    %reduce_sum3A_24 = vector.multi_reduction <add>, %mul3A, %reduce_sum3A_23 [1] : vector<2000x128xf32> to vector<2000xf32>
    %broadcast_in_dim3A_25 = vector.shape_cast %reduce_sum3A_24 : vector<2000xf32> to vector<2000x1xf32>
    %div3A_26 = arith.constant 1.280000e+02 : f32
    %div3A_27 = vector.broadcast %div3A_26 : f32 to vector<2000x1xf32>
    %div3A_28 = arith.divf %broadcast_in_dim3A_25, %div3A_27 : vector<2000x1xf32>
    %sub3A_29 = vector.broadcast %div3A_19 : vector<2000x1xf32> to vector<2000x128xf32>
    %sub3A_30 = arith.subf %add3A_16, %sub3A_29 : vector<2000x128xf32>
    %add3A_31 = arith.constant 9.99999997E-7 : f32
    %add3A_32 = vector.broadcast %add3A_31 : f32 to vector<2000x1xf32>
    %add3A_33 = arith.addf %div3A_28, %add3A_32 : vector<2000x1xf32>
    %sqrt3A = math.sqrt %add3A_33 : vector<2000x1xf32>
    %div3A_34 = vector.broadcast %sqrt3A : vector<2000x1xf32> to vector<2000x128xf32>
    %div3A_35 = arith.divf %sub3A_30, %div3A_34 : vector<2000x128xf32>
    %logistic3A = arith.negf %div3A_35 : vector<2000x128xf32>
    %logistic3A_36 = math.exp %logistic3A : vector<2000x128xf32>
    %logistic3A_37 = arith.constant 1.000000e+00 : f32
    %logistic3A_38 = vector.broadcast %logistic3A_37 : f32 to vector<2000x128xf32>
    %logistic3A_39 = arith.addf %logistic3A_38, %logistic3A_36 : vector<2000x128xf32>
    %logistic3A_40 = arith.divf %logistic3A_38, %logistic3A_39 : vector<2000x128xf32>
    %mul3A_41 = arith.mulf %div3A_35, %logistic3A_40 : vector<2000x128xf32>
    %reshape3A = vector.shape_cast %mul3A_41 : vector<2000x128xf32> to vector<2000x2x64xf32>
    %transpose3A = tpu.transpose %reshape3A, [1, 0, 2] : vector<2000x2x64xf32> -> vector<2x2000x64xf32>
    %swap3A = arith.constant 0 : index
    %swap3A_42 = arith.constant 0 : index
    %swap3A_43 = arith.constant 0 : index
    %swap3A_44 = vector.load %arg4[%swap3A, %swap3A_42, %swap3A_43] : memref<2x2000x64xf32, #tpu.memory_space<vmem>>, vector<2x2000x64xf32>
    tpu.vector_store %arg4[%swap3A, %swap3A_42, %swap3A_43], %transpose3A {strides = array<i32>} : memref<2x2000x64xf32, #tpu.memory_space<vmem>>, vector<2x2000x64xf32>,
    return
  }
  func.func @transform_0(%arg0: i32) -> (i32, i32, i32) {
    %c0_i32 = arith.constant 0 : i32
    %c0_i32_0 = arith.constant 0 : i32
    %c0_i32_1 = arith.constant 0 : i32
    return %c0_i32, %arg0, %c0_i32_0 : i32, i32, i32
  }
  func.func @transform_1(%arg0: i32) -> (i32, i32) {
    %c0_i32 = arith.constant 0 : i32
    %c0_i32_0 = arith.constant 0 : i32
    %c0_i32_1 = arith.constant 0 : i32
    return %c0_i32, %c0_i32_0 : i32, i32
  }
  func.func @transform_2(%arg0: i32) -> (i32, i32) {
    %c0_i32 = arith.constant 0 : i32
    %c0_i32_0 = arith.constant 0 : i32
    %c0_i32_1 = arith.constant 0 : i32
    return %c0_i32, %c0_i32_0 : i32, i32
  }
  func.func @transform_3(%arg0: i32) -> (i32, i32, i32) {
    %c0_i32 = arith.constant 0 : i32
    %c0_i32_0 = arith.constant 0 : i32
    %c0_i32_1 = arith.constant 0 : i32
    return %c0_i32, %arg0, %c0_i32_0 : i32, i32, i32
  }
}

module attributes {stable_mosaic.version = 14 : i64} {
  func.func @_fin_body(%arg0: i32, %arg1: memref<2x2000x64xf32, #tpu.memory_space<vmem>>, %arg2: memref<128x128xf32, #tpu.memory_space<vmem>>, %arg3: memref<1x128xf32, #tpu.memory_space<vmem>>, %arg4: memref<2000x128xf32, #tpu.memory_space<vmem>>, %arg5: memref<2000x128xf32, #tpu.memory_space<vmem>>) attributes {dimension_semantics = [#tpu.dimension_semantics<arbitrary>], iteration_bounds = array<i64: 5>, scalar_prefetch = 0 : i64, scratch_operands = 0 : i64, tpu.core_type = #tpu.core_type<tc>, window_params = [{transform_indices = @transform_0, window_bounds = array<i64: 2, 2000, 64>}, {pipeline_mode = #tpu.pipeline_mode<synchronous>, transform_indices = @transform_1, window_bounds = array<i64: 128, 128>}, {pipeline_mode = #tpu.pipeline_mode<synchronous>, transform_indices = @transform_2, window_bounds = array<i64: 1, 128>}, {transform_indices = @transform_3, window_bounds = array<i64: 2000, 128>}, {transform_indices = @transform_4, window_bounds = array<i64: 2000, 128>}]} {
    %get3A = arith.constant 0 : index
    %get3A_0 = arith.constant 0 : index
    %get3A_1 = arith.constant 0 : index
    %get3A_2 = vector.load %arg1[%get3A, %get3A_0, %get3A_1] : memref<2x2000x64xf32, #tpu.memory_space<vmem>>, vector<1x2000x64xf32>
    %get3A_3 = vector.shape_cast %get3A_2 : vector<1x2000x64xf32> to vector<2000x64xf32>
    %get3A_4 = arith.constant 1 : index
    %get3A_5 = arith.constant 0 : index
    %get3A_6 = arith.constant 0 : index
    %get3A_7 = vector.load %arg1[%get3A_4, %get3A_5, %get3A_6] : memref<2x2000x64xf32, #tpu.memory_space<vmem>>, vector<1x2000x64xf32>
    %get3A_8 = vector.shape_cast %get3A_7 : vector<1x2000x64xf32> to vector<2000x64xf32>
    %concatenate3A = tpu.concatenate %get3A_3, %get3A_8 in 1 : vector<2000x64xf32>, vector<2000x64xf32> -> vector<2000x128xf32>
    %get3A_9 = arith.constant 0 : index
    %get3A_10 = arith.constant 0 : index
    %get3A_11 = vector.load %arg2[%get3A_9, %get3A_10] : memref<128x128xf32, #tpu.memory_space<vmem>>, vector<128x128xf32>
    %dot_general3A = arith.constant dense<0.000000e+00> : vector<2000x128xf32>
    %dot_general3A_12 = tpu.matmul %concatenate3A, %get3A_11, %dot_general3A {dimension_numbers = #tpu.dot_dimension_numbers<[1], [0], [0], [1], [0, 0, 1, 1], [], []>, transpose_lhs_hint = false} : vector<2000x128xf32>, vector<128x128xf32>, vector<2000x128xf32> -> vector<2000x128xf32>
    %get3A_13 = arith.constant 0 : index
    %get3A_14 = arith.constant 0 : index
    %get3A_15 = vector.load %arg3[%get3A_13, %get3A_14] : memref<1x128xf32, #tpu.memory_space<vmem>>, vector<1x128xf32>
    %add3A = vector.broadcast %get3A_15 : vector<1x128xf32> to vector<2000x128xf32>
    %add3A_16 = arith.addf %dot_general3A_12, %add3A : vector<2000x128xf32>
    %get3A_17 = arith.constant 0 : index
    %get3A_18 = arith.constant 0 : index
    %get3A_19 = vector.load %arg4[%get3A_17, %get3A_18] : memref<2000x128xf32, #tpu.memory_space<vmem>>, vector<2000x128xf32>
    %add3A_20 = arith.addf %add3A_16, %get3A_19 : vector<2000x128xf32>
    %swap3A = arith.constant 0 : index
    %swap3A_21 = arith.constant 0 : index
    %swap3A_22 = vector.load %arg5[%swap3A, %swap3A_21] : memref<2000x128xf32, #tpu.memory_space<vmem>>, vector<2000x128xf32>
    tpu.vector_store %arg5[%swap3A, %swap3A_21], %add3A_20 {strides = array<i32>} : memref<2000x128xf32, #tpu.memory_space<vmem>>, vector<2000x128xf32>,
    return
  }
  func.func @transform_0(%arg0: i32) -> (i32, i32, i32) {
    %c0_i32 = arith.constant 0 : i32
    %c0_i32_0 = arith.constant 0 : i32
    %c0_i32_1 = arith.constant 0 : i32
    return %c0_i32, %arg0, %c0_i32_0 : i32, i32, i32
  }
  func.func @transform_1(%arg0: i32) -> (i32, i32) {
    %c0_i32 = arith.constant 0 : i32
    %c0_i32_0 = arith.constant 0 : i32
    %c0_i32_1 = arith.constant 0 : i32
    return %c0_i32, %c0_i32_0 : i32, i32
  }
  func.func @transform_2(%arg0: i32) -> (i32, i32) {
    %c0_i32 = arith.constant 0 : i32
    %c0_i32_0 = arith.constant 0 : i32
    %c0_i32_1 = arith.constant 0 : i32
    return %c0_i32, %c0_i32_0 : i32, i32
  }
  func.func @transform_3(%arg0: i32) -> (i32, i32) {
    %c0_i32 = arith.constant 0 : i32
    %c0_i32_0 = arith.constant 0 : i32
    return %arg0, %c0_i32 : i32, i32
  }
  func.func @transform_4(%arg0: i32) -> (i32, i32) {
    %c0_i32 = arith.constant 0 : i32
    %c0_i32_0 = arith.constant 0 : i32
    return %arg0, %c0_i32 : i32, i32
  }
}

</mosaic_0001>

<sc_bundles>
// kernel: kernel.10.cloned.1.call-start
scs
__scs_entry_jumppad:
0x0: {  	(pc) =	sbr.rel $0x88, $3  }
0x1: {  	(tag) =	ssettag $0x0;
	lr =	simm.s32 $0x1  }
0x2: {  	[smem:$0x3F99] =	sst lr;
	_ =	strace $0xD0000000  }
0x3: {  	_ = 	snop  }
0x4: {  	_ = 	snop  }
0x5: {  	_ = 	snop  }
0x6: {  	_ = 	snop  }
0x7: {  	_ = 	snop  }
__scs_overlays_trampoline_lowered:
0x8: {  	[smem:$0x3FA8] =	sst s0  }
0x9: {  	[smem:$0x3FA9] =	sst s1  }
0xa: {  	[smem:$0x3FAA] =	sst s2  }
0xb: {  	[smem:$0x3FAB] =	sst s3  }
0xc: {  	[smem:$0x3FAC] =	sst s4  }
0xd: {  	[smem:$0x3FAD] =	sst s5  }
0xe: {  	[smem:$0x3FAE] =	sst s6  }
0xf: {  	[smem:$0x3FAF] =	sst s7  }
0x10: {  	[smem:$0x3FB0] =	sst s8  }
0x11: {  	[smem:$0x3FB1] =	sst s9;
	s0 =	simm.s32 @!p0 $0x0  }
0x12: {  	s1 =	sld [smem:$0x3F97];
	s0 =	simm.s32 @p0 $0x1  }
0x13: {  	[smem:$0x3FB2] =	sst s0;
	s0 =	simm.s32 @!p1 $0x0  }
0x14: {  	s2 =	sld [smem:$0x3F96];
	s0 =	simm.s32 @p1 $0x1  }
0x15: {  	[smem:$0x3FB3] =	sst s0;
	s0 =	simm.s32 @!p2 $0x0  }
0x16: {  	s3 =	sld [smem:$0x3FDB];
	s0 =	simm.s32 @p2 $0x1  }
0x17: {  	s4 =	simm.s32 $0x1BF5;
	[smem:$0x3FB5] =	sst s0  }
0x18: {  	s0 =	sld [smem:$0x3F98];
	_ =	swait.ge [sflag:s4], $0x0  }
0x19: {  	s7 =	sld [smem:$0x3F99]  }
0x1a: {  	s8 =	sadd.s32 $0xFFFFE003, lr  }
0x1b: {  	s9 =	sadd.s32 $0xFFFFFEF7, lr;
	s5 =	simm.s32 $0xFFFFFFFF;
	p2 =	slt.u32 s8, $0xFFFFF086  }
0x1c: {  	p1 =	slt.u32 s9, $0xF7A;
	s5 =	simm.s32 @!p2 $0x0  }
0x1d: {  	s5 =	simm.s32 @p1 $0x1;
	p0 =	seq.s32 s7, s2  }
0x1e: {  	s7 =	smul.u32 @!p0 $0xF7A, s2;
	p2 =	seq.s32 @!p0 s5, $0x0  }
0x1f: {  	s9 =	smul.u32 $0xF7A, s1;
	s8 =	simm.s32 @!p0 $0x1BF5;
	p2 =	por !p2, p0  }
0x20: {  	[sflag:s8] =	ssyncset.s32 @!p0 $0xFFFFF086;
	s6 =	sadd.s32 @!p0 s3, s7;
	s7 =	simm.s32 @!p0 $0x108  }
0x21: {  	s3 =	sadd.s32 s3, s9;
	s6 =	sadd.s32 @!p0 $0x88, s6;
	s7 =	simm.s32 @p2 $0x1082  }
0x22: {  	[simem:s7], [sflag:s8] =	dma.local @!p0 [hbm:s6], $0xF7A  }
0x23: {  	s9 =	sor.u32 $0xD0000000, s2;
	s6 =	simm.s32 $0x108;
	_ =	swait.ge @!p0 [sflag:s8], $0x0  }
0x24: {  	s3 =	sadd.s32 $0x88, s3;
	s6 =	simm.s32 @!p1 $0x1082;
	[sflag:s4] =	ssyncset.s32 $0xFFFFF086  }
0x25: {  	[simem:s6], [sflag:s4] =	dma.local [hbm:s3], $0xF7A  }
0x26: {  	[smem:$0x3F99] =	sst s1;
	(tag) =	ssettag s2;
	_ =	strace s9  }
0x27: {  	s1 =	sld [smem:$0x3FA9]  }
0x28: {  	s2 =	sld [smem:$0x3FAA]  }
0x29: {  	s4 =	sld [smem:$0x3FAC]  }
0x2a: {  	p0 =	seq.s32 s5, $0x0;
	s5 =	sld [smem:$0x3FAD]  }
0x2b: {  	s6 =	sld [smem:$0x3FAE]  }
0x2c: {  	s7 =	sld [smem:$0x3FAF]  }
0x2d: {  	s3 =	simm.s32 $0x108;
	s8 =	sld [smem:$0x3FB0]  }
0x2e: {  	s3 =	simm.s32 @!p0 $0x1082;
	s9 =	sld [smem:$0x3FB1]  }
0x2f: {  	lr =	sadd.s32 s0, s3;
	s0 =	sld [smem:$0x3FA8]  }
0x30: {  	s3 =	sld [smem:$0x3FAB]  }
0x31: {  	[smem:$0x3FB4] =	sst s10  }
0x32: {  	s10 =	sld [smem:$0x3FB2];
	_ =	sdelay $0x3  }
0x33: {  	p0 =	seq.s32 s10, $0x1;
	s10 =	sld [smem:$0x3FB4];
	_ =	sdelay $0x3  }
0x34: {  	[smem:$0x3FB4] =	sst s10  }
0x35: {  	s10 =	sld [smem:$0x3FB3];
	_ =	sdelay $0x3  }
0x36: {  	p1 =	seq.s32 s10, $0x1;
	s10 =	sld [smem:$0x3FB4];
	_ =	sdelay $0x3  }
0x37: {  	[smem:$0x3FB4] =	sst s10  }
0x38: {  	s10 =	sld [smem:$0x3FB5]  }
0x39: {  	_ = 	snop;
	(pc) =	sbr.ind lr, $3  }
0x3a: {  	_ = 	snop  }
0x3b: {  	_ = 	snop  }
0x3c: {  	p2 =	seq.s32 s10, $0x1;
	s10 =	sld [smem:$0x3FB4]  }
0x3d: {  	_ =	shalt  }
0x3e: {  	_ =	shalt  }
0x3f: {  	_ =	shalt  }
0x40: {  	_ =	shalt  }
0x41: {  	_ =	shalt  }
0x42: {  	_ =	shalt  }
0x43: {  	_ =	shalt  }
0x44: {  	_ =	shalt  }
0x45: {  	_ =	shalt  }
0x46: {  	_ =	shalt  }
0x47: {  	_ =	shalt  }
0x48: {  	_ =	shalt  }
0x49: {  	_ =	shalt  }
0x4a: {  	_ =	shalt  }
0x4b: {  	_ =	shalt  }
0x4c: {  	_ =	shalt  }
0x4d: {  	_ =	shalt  }
0x4e: {  	_ =	shalt  }
0x4f: {  	_ =	shalt  }
0x50: {  	_ =	shalt  }
0x51: {  	_ =	shalt  }
0x52: {  	_ =	shalt  }
0x53: {  	_ =	shalt  }
0x54: {  	_ =	shalt  }
0x55: {  	_ =	shalt  }
0x56: {  	_ =	shalt  }
0x57: {  	_ =	shalt  }
0x58: {  	_ =	shalt  }
0x59: {  	_ =	shalt  }
0x5a: {  	_ =	shalt  }
0x5b: {  	_ =	shalt  }
0x5c: {  	_ =	shalt  }
0x5d: {  	_ =	shalt  }
0x5e: {  	_ =	shalt  }
0x5f: {  	_ =	shalt  }
0x60: {  	_ =	shalt  }
0x61: {  	_ =	shalt  }
0x62: {  	_ =	shalt  }
0x63: {  	_ =	shalt  }
0x64: {  	_ =	shalt  }
0x65: {  	_ =	shalt  }
0x66: {  	_ =	shalt  }
0x67: {  	_ =	shalt  }
0x68: {  	_ =	shalt  }
0x69: {  	_ =	shalt  }
0x6a: {  	_ =	shalt  }
0x6b: {  	_ =	shalt  }
0x6c: {  	_ =	shalt  }
0x6d: {  	_ =	shalt  }
0x6e: {  	_ =	shalt  }
0x6f: {  	_ =	shalt  }
0x70: {  	_ =	shalt  }
0x71: {  	_ =	shalt  }
0x72: {  	_ =	shalt  }
0x73: {  	_ =	shalt  }
0x74: {  	_ =	shalt  }
0x75: {  	_ =	shalt  }
0x76: {  	_ =	shalt  }
0x77: {  	_ =	shalt  }
0x78: {  	_ =	shalt  }
0x79: {  	_ =	shalt  }
0x7a: {  	_ =	shalt  }
0x7b: {  	_ =	shalt  }
0x7c: {  	_ =	shalt  }
0x7d: {  	_ =	shalt  }
0x7e: {  	_ =	shalt  }
0x7f: {  	_ =	shalt  }
0x80: {  	_ =	shalt  }
0x81: {  	_ =	shalt  }
0x82: {  	_ =	shalt  }
0x83: {  	_ =	shalt  }
0x84: {  	_ =	shalt  }
0x85: {  	_ =	shalt  }
0x86: {  	_ =	shalt  }
0x87: {  	_ =	shalt  }
.Lfunc_end0:
.L_simem_size_0:
called_computation.1_lowered:
.L_overlay_start_0:
0x88: {  	s2 =	sld [smem:$0x3FD9]  }
0x89: {  	s3 =	sld [smem:$0x3FFE];
	_ =	sdelay $0x1  }
0x8a: {  	s1 =	srdreg.scid  }
0x8b: {  	s0 =	sand.u32 $0x1, s1  }
0x8c: {  	s17 =	sshll.u32 s0, $0xA;
	s2 =	sadd.s32 s3, s2  }
0x8d: {  	s2 =	sadd.s32 s2, s17  }
0x8e: {  	[smem:$0x3FC0] =	sst s2  }
0x8f: {  	_ = 	snop  }
0x90: {  	s2 =	sld [smem:$0x3FD0];
	(tm) =	ssettm $0x1  }
0x91: {  	s18 =	sld [smem:$0x3FFB];
	_ =	sdelay $0x3  }
0x92: {  	_ =	strace s18  }
0x93: {  	s3 =	sld [smem:$0x3FFC];
	_ =	sdelay $0x3  }
0x94: {  	_ =	strace s3  }
0x95: {  	s3 =	sld [smem:$0x3FFD];
	_ =	sdelay $0x3  }
0x96: {  	_ =	strace s3  }
0x97: {  	_ =	strace $0x8FFFFFFF  }
0x98: {  	s19 =	sld [smem:$0x3FDB];
	_ =	sdelay $0x1  }
0x99: {  	s4 =	simm.s32 $_scs_section_size  }
0x9a: {  	s5 =	simm.s32 $_size__tile_overlayer_lowered;
	s6 =	simm.s32 $_tile_overlayer_lowered  }
0x9b: {  	s22 =	simm.s32 $0x1BFF;
	s21 =	sshll.u32 s6, $0x1;
	s3 =	sadd.s32 s4, s19  }
0x9c: {  	s7 =	simm.s32 $0x0;
	s20 =	sshll.u32 s5, $0x1;
	s5 =	sadd.s32 s21, s3  }
0x9d: {  	[timem:s7], [sflag:s22] =	dma.local [hbm:s5], s20  }
0x9e: {  	_ =	swait.ge [sflag:s22], s20  }
0x9f: {  	s4 =	ssub.s32 $0x0, s20;
	[sflag:s22] =	ssyncset.done $0x0  }
0xa0: {  	[sflag:s22] =	ssyncadd.s32 s4;
	_ =	sdelay $0x1  }
0xa1: {  	s23 =	simm.s32 $0x1B8B  }
0xa2: {  	_ =	swait.ge [sflag:s23], $0x1  }
0xa3: {  	[sflag:s23] =	ssyncset.done $0x0  }
0xa4: {  	s25 =	simm.s32 $0x1B8E;
	s24 =	sld [smem:$0x3FFE];
	[sflag:s23] =	ssyncadd.s32 $0xFFFFFFFF  }
0xa5: {  	s26 =	simm.s32 $execute0_lowered;
	[smem:$0x3FD2] =	sst s25  }
0xa6: {  	s5 =	sshll.u32 s26, $0x1;
	_ =	strace $0x80000049;
	[dreg:$0x1] =	wrdreg $0xFFFFFFFF  }
0xa7: {  	s28 =	simm.s32 $_size_execute0_lowered;
	s3 =	sadd.s32 s3, s5;
	[dreg:$0x0] =	wrdreg $0x0  }
0xa8: {  	s5 =	sshll.u32 s28, $0x1;
	[dreg:$0x2] =	wrdreg s3  }
0xa9: {  	[dreg:$0x3] =	wrdreg s5  }
0xaa: {  	[dreg:$0x4] =	wrdreg $0xC0  }
0xab: {  	_ =	task [dreg:s7], $0x5FFFF  }
0xac: {  	[dreg:$0x1] =	wrdreg $0xFFFFFFFF  }
0xad: {  	[dreg:$0x0] =	wrdreg $0x60  }
0xae: {  	[dreg:$0x2] =	wrdreg s2  }
0xaf: {  	[dreg:$0x3] =	wrdreg s24  }
0xb0: {  	[dreg:$0x4] =	wrdreg $0xFE000  }
0xb1: {  	[dreg:$0x5] =	wrdreg $0x9  }
0xb2: {  	_ =	task.clear_ibuf [dreg:s7], $0x6FFFF;
	_ =	strace $0x90000049  }
0xb3: {  	s29 =	simm.s32 $0x9;
	_ =	strace $0x8000004B  }
0xb4: {  	_ =	swait.ge [sflag:s29], $0x1  }
0xb5: {  	[sflag:s29] =	ssyncadd.s32 $0xFFFFFFFF  }
0xb6: {  	_ =	strace $0x9000004B  }
0xb7: {  	_ =	sfence  }
0xb8: {  	s30 =	sld [smem:$0x0];
	_ =	sdelay $0x2  }
0xb9: {  	s31 =	sshll.u32 s1, $0xD;
	s1 =	sshrl.u32 s1, $0x2  }
0xba: {  	s3 =	sand.u32 $0x4000, s31;
	s1 =	sadd.s32 s1, s30  }
0xbb: {  	s0 =	sor.u32 s3, s0;
	s1 =	sshll.u32 s1, $0x11  }
0xbc: {  	s0 =	sor.u32 s1, s0  }
0xbd: {  	s0 =	sadd.s32 $0x8F2B, s0  }
0xbe: {  	[sflag:s0] =	ssyncadd.remote.s32 $0x1  }
0xbf: {  	_ =	sfence.sel $0xFFFF  }
0xc0: {  	[dreg:$0x0] =	wrdreg $0xFFFFFFFF;
	(pc) =	sbr.abs _section_cstart, $3  }
0xc1: {  	[dreg:$0x1] =	wrdreg $0xFFFFFFFF  }
0xc2: {  	_ =	task.clear_ibuf [dreg:s7], $0x2FFFF;
	_ =	strace $0x9FFFFFFF  }
0xc3: {  	(tm) =	ssettm $0x7FFFFFFF  }
tec
execute0_lowered:
.L_overlay_start_1:
0x0: {  	(tag) =	ssettag $0x1  }
0x1: {  	s1 =	rddreg [dreg:$0x0]  }
0x2: {  	s0 =	srdreg.scid;
	s2 =	rddreg [dreg:$0x1]  }
0x3: {  	s10 =	stileid.u32;
	s3 =	rddreg [dreg:$0x2]  }
0x4: {  	s4 =	simm.s32 $0x0;
	s21 =	simm.s32 $0xDE00;
	s22 =	simm.s32 $0x1  }
0x5: {  	s23 =	simm.s32 $0x80;
	s24 =	simm.s32 $0x9E00;
	s25 =	simm.s32 $0xBE00  }
0x6: {  	s26 =	simm.s32 $0x2;
	s30 =	simm.s32 $0x9D80;
	s5 =	smul.u32 $0x4F00, s10  }
0x7: {  	s31 =	simm.s32 $0x0;
	s0 =	sand.u32 $0x1, s0;
	s12 =	smul.u32 $0xA000, s10  }
0x8: {  	[smem:$0x7FF] =	sst s4;
	s6 =	smul.u32 $0x4F000, s0;
	s8 =	ssub.s32 $0x2, s0  }
0x9: {  	_ =	strace $0x8000004A;
	s0 =	smul.u32 $0xA0000, s0;
	s9 =	sshrl.u32 s8, $0x1  }
0xa: {  	s13 =	sadd.s32 $0x2000, s12;
	s15 =	sadd.s32 $0x4000, s12;
	s16 =	sadd.s32 $0x6000, s12  }
0xb: {  	s17 =	sadd.s32 $0x8000, s12;
	s6 =	sadd.s32 s5, s6;
	s5 =	sshrl.u32 s5, $0x3  }
0xc: {  	s18 =	ssub.s32 s8, s9;
	s8 =	sadd.s32 s12, s3;
	s9 =	sadd.s32 s13, s3  }
0xd: {  	s10 =	sadd.s32 s15, s3;
	s11 =	sadd.s32 s16, s3;
	s14 =	sadd.s32 s12, s0  }
0xe: {  	s13 =	sadd.s32 s0, s13;
	s12 =	sadd.s32 s17, s3;
	s15 =	sadd.s32 s0, s15  }
0xf: {  	s16 =	sadd.s32 s0, s16;
	s0 =	sadd.s32 s0, s17;
	s6 =	sshrl.u32 s6, $0x3  }
0x10: {  	s7 =	sadd.s32 s5, s2;
	s5 =	sadd.s32 $0x1EE00, s2;
	s14 =	sshrl.u32 s14, $0x3  }
0x11: {  	s19 =	sshrl.u32 s13, $0x3;
	s15 =	sshrl.u32 s15, $0x3;
	s16 =	sshrl.u32 s16, $0x3  }
0x12: {  	s0 =	sshrl.u32 s0, $0x3;
	s18 =	smax.u32 s18, $0x1;
	s6 =	sadd.s32 s6, s2  }
0x13: {  	s2 =	sadd.s32 $0x1F200, s2;
	s7 =	sadd.s32 $0x15000, s7;
	s6 =	sadd.s32 $0x1400, s6  }
0x14: {  	s13 =	sadd.s32 s2, s14;
	s14 =	sadd.s32 s2, s19;
	s15 =	sadd.s32 s2, s15  }
0x15: {  	s16 =	sadd.s32 s2, s16;
	s17 =	sadd.s32 s2, s0;
	s19 =	simm.s32 $0x3  }
.LBB2_1:
0x16: {  	[tilespmem:s4], [sflag:$0x3] =	stream.linear.gather [hbm4b:s6+s4], $0x4F00, $0x38;
	[tilespmem:$0x19E00] =	vst v63  }
0x17: {  	_ =	swait.ge [sflag:s19], $0x4F00  }
0x18: {  	[sflag:s19] =	ssyncset.done $0x0  }
0x19: {  	s0 =	simm.s32 $0x4F00;
	[sflag:s19] =	ssyncadd.s32 $0xFFFFB100  }
0x1a: {  	[tilespmem:s0], [sflag:$0x3] =	stream.linear.gather [hbm4b:s7+s4], $0x4F00, $0x38;
	[tilespmem:$0x19E00] =	vst v63  }
0x1b: {  	_ =	swait.ge [sflag:s19], $0x4F00  }
0x1c: {  	[sflag:s19] =	ssyncset.done $0x0  }
0x1d: {  	[sflag:s19] =	ssyncadd.s32 $0xFFFFB100  }
0x1e: {  	[tilespmem:s21], [sflag:$0x3] =	stream.linear.gather [hbm4b:s5+s4], $0x2000, $0x38;
	[tilespmem:$0x19E00] =	vst v63  }
0x1f: {  	_ =	swait.ge [sflag:s19], $0x2000  }
0x20: {  	[sflag:s19] =	ssyncset.done $0x0  }
0x21: {  	[sflag:s19] =	ssyncadd.s32 $0xFFFFE000  }
0x22: {  	[spmem:s8] =	stream.linear.scatter [tilespmem:s21], [sflag:$0x1], $0x2000, $0x38;
	[tilespmem:$0x19E00] =	vst v63  }
0x23: {  	_ = 	snop  }
0x24: {  	[spmem:s9] =	stream.linear.scatter [tilespmem:s21], [sflag:$0x1], $0x2000, $0x38;
	[tilespmem:$0x19E00] =	vst v63  }
0x25: {  	_ = 	snop  }
0x26: {  	[spmem:s10] =	stream.linear.scatter [tilespmem:s21], [sflag:$0x1], $0x2000, $0x38;
	[tilespmem:$0x19E00] =	vst v63  }
0x27: {  	_ = 	snop  }
0x28: {  	[spmem:s11] =	stream.linear.scatter [tilespmem:s21], [sflag:$0x1], $0x2000, $0x38;
	[tilespmem:$0x19E00] =	vst v63  }
0x29: {  	_ = 	snop  }
0x2a: {  	[spmem:s12] =	stream.linear.scatter [tilespmem:s21], [sflag:$0x1], $0x2000, $0x38;
	[tilespmem:$0x19E00] =	vst v63  }
0x2b: {  	_ =	swait.ge [sflag:s22], $0x2000  }
0x2c: {  	[sflag:s22] =	ssyncset.done $0x0  }
0x2d: {  	[sflag:s22] =	ssyncadd.s32 $0xFFFFE000  }
0x2e: {  	_ =	swait.ge [sflag:s22], $0x2000  }
0x2f: {  	[sflag:s22] =	ssyncset.done $0x0  }
0x30: {  	[sflag:s22] =	ssyncadd.s32 $0xFFFFE000  }
0x31: {  	_ =	swait.ge [sflag:s22], $0x2000  }
0x32: {  	[sflag:s22] =	ssyncset.done $0x0  }
0x33: {  	[sflag:s22] =	ssyncadd.s32 $0xFFFFE000  }
0x34: {  	_ =	swait.ge [sflag:s22], $0x2000  }
0x35: {  	[sflag:s22] =	ssyncset.done $0x0  }
0x36: {  	[sflag:s22] =	ssyncadd.s32 $0xFFFFE000  }
0x37: {  	_ =	swait.ge [sflag:s22], $0x2000  }
0x38: {  	[sflag:s22] =	ssyncset.done $0x0  }
0x39: {  	[sflag:s22] =	ssyncadd.s32 $0xFFFFE000  }
0x3a: {  	[bflag:$0x0] =	sbarrier.arrive $0xFFFF  }
0x3b: {  	[tilespmem:s24], [sflag:$0x1] =	stream.indirect.gather [hbm4b:s1+s23], $0x40, s4, s23, $0xb8;
	[tilespmem:$0x19E00] =	vst v63  }
0x3c: {  	s2 =	simm.s32 $0x80  }
0x3d: {  	[tilespmem:s25], [sflag:$0x2] =	stream.indirect.gather [hbm4b:s1+s23], $0x40, s2, s23, $0xb8;
	[tilespmem:$0x19E00] =	vst v63  }
0x3e: {  	_ =	swait.ge [sflag:s22], $0x2000  }
0x3f: {  	[sflag:s22] =	ssyncset.done $0x0  }
0x40: {  	s20 =	simm.s32 $0x4F00;
	[sflag:s22] =	ssyncadd.s32 $0xFFFFE000  }
0x41: {  	[spmem:s3] =	stream.indirect.scatter.add.f32 [tilespmem:s24], [sflag:$0x3], $0x40, s20, s23, $0xb8;
	[tilespmem:$0x19E00] =	vst v63  }
0x42: {  	_ =	swait.ge [sflag:s19], $0x2000  }
0x43: {  	[sflag:s19] =	ssyncset.done $0x0  }
0x44: {  	s28 =	simm.s32 $0x100;
	[sflag:s19] =	ssyncadd.s32 $0xFFFFE000  }
0x45: {  	[tilespmem:s24], [sflag:$0x1] =	stream.indirect.gather [hbm4b:s1+s23], $0x40, s28, s23, $0xb8;
	[tilespmem:$0x19E00] =	vst v63  }
0x46: {  	_ =	swait.ge [sflag:s26], $0x2000  }
0x47: {  	[sflag:s26] =	ssyncset.done $0x0  }
0x48: {  	s29 =	simm.s32 $0x4F80;
	[sflag:s26] =	ssyncadd.s32 $0xFFFFE000  }
0x49: {  	[spmem:s3] =	stream.indirect.scatter.add.f32 [tilespmem:s25], [sflag:$0x3], $0x40, s29, s23, $0xb8;
	[tilespmem:$0x19E00] =	vst v63  }
0x4a: {  	_ =	swait.ge [sflag:s19], $0x2000  }
0x4b: {  	s0 =	simm.s32 $0x800;
	s2 =	simm.s32 $0x100;
	[sflag:s19] =	ssyncset.done $0x0  }
.LBB2_2:
0x4c: {  	s20 =	sadd.s32 $0x80, s2  }
0x4d: {  	[sflag:s19] =	ssyncadd.s32 $0xFFFFE000;
	s28 =	smov.u32 s0;
	s29 =	sadd.s32 $0x400, s0  }
0x4e: {  	[tilespmem:s25], [sflag:$0x2] =	stream.indirect.gather [hbm4b:s1+s23], $0x40, s20, s23, $0xb8;
	[tilespmem:$0x19E00] =	vst v63  }
0x4f: {  	p0 =	sne.s32 s0, $0x13400;
	_ =	swait.ge [sflag:s22], $0x2000  }
0x50: {  	[sflag:s22] =	ssyncset.done $0x0  }
0x51: {  	s0 =	sadd.s32 $0x4F00, s2;
	[sflag:s22] =	ssyncadd.s32 $0xFFFFE000  }
0x52: {  	[spmem:s3] =	stream.indirect.scatter.add.f32 [tilespmem:s24], [sflag:$0x3], $0x40, s0, s23, $0xb8;
	[tilespmem:$0x19E00] =	vst v63  }
0x53: {  	_ =	swait.ge [sflag:s19], $0x2000  }
0x54: {  	[sflag:s19] =	ssyncset.done $0x0  }
0x55: {  	s0 =	sadd.s32 $0x100, s2;
	[sflag:s19] =	ssyncadd.s32 $0xFFFFE000  }
0x56: {  	[tilespmem:s24], [sflag:$0x1] =	stream.indirect.gather [hbm4b:s1+s23], $0x40, s0, s23, $0xb8;
	[tilespmem:$0x19E00] =	vst v63  }
0x57: {  	_ =	swait.ge [sflag:s26], $0x2000  }
.Ltmp0:
0x58: {  	[sflag:s26] =	ssyncset.done $0x0;
	(pc) =	sbr.rel @p0 .LBB2_2-.Ltmp0, $4  }
0x59: {  	s0 =	sadd.s32 $0x4F80, s2;
	[sflag:s26] =	ssyncadd.s32 $0xFFFFE000  }
0x5a: {  	[spmem:s3] =	stream.indirect.scatter.add.f32 [tilespmem:s25], [sflag:$0x3], $0x40, s0, s23, $0xb8;
	[tilespmem:$0x19E00] =	vst v63  }
0x5b: {  	_ =	swait.ge [sflag:s19], $0x2000  }
0x5c: {  	s2 =	sshra.s32 s28, $0x2;
	s0 =	smov.u32 s29;
	[sflag:s19] =	ssyncset.done $0x0  }
0x5d: {  	s0 =	sadd.s32 $0x80, s2;
	[sflag:s19] =	ssyncadd.s32 $0xFFFFE000  }
0x5e: {  	[tilespmem:s25], [sflag:$0x2] =	stream.indirect.gather [hbm4b:s1+s23], $0x40, s0, s23, $0xb8;
	[tilespmem:$0x19E00] =	vst v63  }
0x5f: {  	_ =	swait.ge [sflag:s22], $0x2000  }
0x60: {  	[sflag:s22] =	ssyncset.done $0x0  }
0x61: {  	s28 =	sadd.s32 $0x4F00, s2;
	[sflag:s22] =	ssyncadd.s32 $0xFFFFE000  }
0x62: {  	[spmem:s3] =	stream.indirect.scatter.add.f32 [tilespmem:s24], [sflag:$0x3], $0x40, s28, s23, $0xb8;
	[tilespmem:$0x19E00] =	vst v63  }
0x63: {  	_ =	swait.ge [sflag:s19], $0x2000  }
0x64: {  	[sflag:s19] =	ssyncset.done $0x0  }
0x65: {  	s29 =	sadd.s32 $0x100, s2;
	[sflag:s19] =	ssyncadd.s32 $0xFFFFE000  }
0x66: {  	[tilespmem:s24], [sflag:$0x1] =	stream.indirect.gather [hbm4b:s1+s23], $0x40, s29, s23, $0xb8;
	[tilespmem:$0x19E00] =	vst v63  }
0x67: {  	_ =	swait.ge [sflag:s26], $0x2000  }
0x68: {  	[sflag:s26] =	ssyncset.done $0x0  }
0x69: {  	s20 =	sadd.s32 $0x4F80, s2;
	[sflag:s26] =	ssyncadd.s32 $0xFFFFE000  }
0x6a: {  	[spmem:s3] =	stream.indirect.scatter.add.f32 [tilespmem:s25], [sflag:$0x3], $0x40, s20, s23, $0xb8;
	[tilespmem:$0x19E00] =	vst v63  }
0x6b: {  	_ =	swait.ge [sflag:s19], $0x2000  }
0x6c: {  	[sflag:s19] =	ssyncset.done $0x0  }
0x6d: {  	s28 =	simm.s32 $0x4E80;
	[sflag:s19] =	ssyncadd.s32 $0xFFFFE000  }
0x6e: {  	[tilespmem:s25], [sflag:$0x2] =	stream.indirect.gather [hbm4b:s1+s23], $0x40, s28, s23, $0xb8;
	[tilespmem:$0x19E00] =	vst v63  }
0x6f: {  	_ =	swait.ge [sflag:s22], $0x2000  }
0x70: {  	[sflag:s22] =	ssyncset.done $0x0  }
0x71: {  	s29 =	simm.s32 $0x9D00;
	[sflag:s22] =	ssyncadd.s32 $0xFFFFE000  }
0x72: {  	[spmem:s3] =	stream.indirect.scatter.add.f32 [tilespmem:s24], [sflag:$0x3], $0x40, s29, s23, $0xb8;
	[tilespmem:$0x19E00] =	vst v63  }
0x73: {  	_ =	swait.ge [sflag:s19], $0x2000  }
0x74: {  	[sflag:s19] =	ssyncset.done $0x0  }
0x75: {  	[sflag:s19] =	ssyncadd.s32 $0xFFFFE000  }
0x76: {  	_ =	swait.ge [sflag:s26], $0x2000  }
0x77: {  	[sflag:s26] =	ssyncset.done $0x0  }
0x78: {  	[sflag:s26] =	ssyncadd.s32 $0xFFFFE000  }
0x79: {  	[spmem:s3] =	stream.indirect.scatter.add.f32 [tilespmem:s25], [sflag:$0x3], $0x40, s30, s23, $0xb8;
	[tilespmem:$0x19E00] =	vst v63  }
0x7a: {  	_ =	swait.ge [sflag:s19], $0x2000  }
0x7b: {  	[sflag:s19] =	ssyncset.done $0x0  }
0x7c: {  	[sflag:s19] =	ssyncadd.s32 $0xFFFFE000  }
0x7d: {  	[bflag:$0x0] =	sbarrier.arrive $0xFFFF  }
0x7e: {  	[tilespmem:s24], [sflag:$0x1] =	stream.linear.gather [spmem:s8], $0x2000, $0x38;
	[tilespmem:$0x19E00] =	vst v63  }
0x7f: {  	_ =	swait.ge [sflag:s22], $0x2000  }
0x80: {  	[sflag:s22] =	ssyncset.done $0x0  }
0x81: {  	[sflag:s22] =	ssyncadd.s32 $0xFFFFE000  }
0x82: {  	[hbm4b:s13+s4] =	stream.linear.scatter [tilespmem:s24], [sflag:$0x1], $0x2000, $0x38;
	[tilespmem:$0x19E00] =	vst v63  }
0x83: {  	_ = 	snop  }
0x84: {  	[tilespmem:s25], [sflag:$0x2] =	stream.linear.gather [spmem:s9], $0x2000, $0x38;
	[tilespmem:$0x19E00] =	vst v63  }
0x85: {  	_ =	swait.ge [sflag:s26], $0x2000  }
0x86: {  	[sflag:s26] =	ssyncset.done $0x0  }
0x87: {  	[sflag:s26] =	ssyncadd.s32 $0xFFFFE000  }
0x88: {  	[hbm4b:s14+s4] =	stream.linear.scatter [tilespmem:s25], [sflag:$0x2], $0x2000, $0x38;
	[tilespmem:$0x19E00] =	vst v63  }
0x89: {  	_ =	swait.ge [sflag:s22], $0x2000  }
0x8a: {  	[sflag:s22] =	ssyncset.done $0x0  }
0x8b: {  	[sflag:s22] =	ssyncadd.s32 $0xFFFFE000  }
0x8c: {  	[tilespmem:s24], [sflag:$0x1] =	stream.linear.gather [spmem:s10], $0x2000, $0x38;
	[tilespmem:$0x19E00] =	vst v63  }
0x8d: {  	_ =	swait.ge [sflag:s22], $0x2000  }
0x8e: {  	[sflag:s22] =	ssyncset.done $0x0  }
0x8f: {  	[sflag:s22] =	ssyncadd.s32 $0xFFFFE000  }
0x90: {  	[hbm4b:s15+s4] =	stream.linear.scatter [tilespmem:s24], [sflag:$0x1], $0x2000, $0x38;
	[tilespmem:$0x19E00] =	vst v63  }
0x91: {  	_ =	swait.ge [sflag:s26], $0x2000  }
0x92: {  	[sflag:s26] =	ssyncset.done $0x0  }
0x93: {  	[sflag:s26] =	ssyncadd.s32 $0xFFFFE000  }
0x94: {  	[tilespmem:s25], [sflag:$0x2] =	stream.linear.gather [spmem:s11], $0x2000, $0x38;
	[tilespmem:$0x19E00] =	vst v63  }
0x95: {  	_ =	swait.ge [sflag:s26], $0x2000  }
0x96: {  	[sflag:s26] =	ssyncset.done $0x0  }
0x97: {  	[sflag:s26] =	ssyncadd.s32 $0xFFFFE000  }
0x98: {  	[hbm4b:s16+s4] =	stream.linear.scatter [tilespmem:s25], [sflag:$0x2], $0x2000, $0x38;
	[tilespmem:$0x19E00] =	vst v63  }
0x99: {  	_ =	swait.ge [sflag:s22], $0x2000  }
0x9a: {  	[sflag:s22] =	ssyncset.done $0x0  }
0x9b: {  	[sflag:s22] =	ssyncadd.s32 $0xFFFFE000  }
0x9c: {  	[tilespmem:s24], [sflag:$0x1] =	stream.linear.gather [spmem:s12], $0x2000, $0x38;
	[tilespmem:$0x19E00] =	vst v63  }
0x9d: {  	_ =	swait.ge [sflag:s22], $0x2000  }
0x9e: {  	[sflag:s22] =	ssyncset.done $0x0  }
0x9f: {  	s31 =	sadd.s32 $0x1, s31;
	[sflag:s22] =	ssyncadd.s32 $0xFFFFE000  }
0xa0: {  	[hbm4b:s17+s4] =	stream.linear.scatter [tilespmem:s24], [sflag:$0x1], $0x2000, $0x38;
	[tilespmem:$0x19E00] =	vst v63  }
0xa1: {  	p0 =	sne.s32 s31, s18;
	_ =	swait.ge [sflag:s26], $0x2000  }
.Ltmp1:
0xa2: {  	[sflag:s26] =	ssyncset.done $0x0;
	(pc) =	sbr.rel @p0 .LBB2_1-.Ltmp1, $4  }
0xa3: {  	[sflag:s26] =	ssyncadd.s32 $0xFFFFE000  }
0xa4: {  	_ =	swait.ge [sflag:s22], $0x2000  }
0xa5: {  	[sflag:s22] =	ssyncset.done $0x0  }
0xa6: {  	[sflag:s22] =	ssyncadd.s32 $0xFFFFE000  }
0xa7: {  	_ =	sfence.sel $0x180000  }
0xa8: {  	[bflag:$0x0] =	sbarrier.arrive $0xFFFF  }
0xa9: {  	_ =	strace $0x9000004A  }
0xaa: {  	s0 =	stileid.u32;
	[bflag:$0x2] =	sbarrier.arrive $0xFFFF  }
0xab: {  	p0 =	sne.s32 s0, $0x0;
	s0 =	rddreg [dreg:$0x3]  }
0xac: {  	s0 =	sadd.s32 @!p0 $0x100000, s0  }
0xad: {  	[sflag:s0] =	ssyncadd.tile.s32 @!p0 $0x1;
	_ =	shalt  }
.Lfunc_end2:
_tile_overlayer_lowered:
.L_overlay_start_2:
0xae: {  	(tag) =	ssettag $0x2  }
0xaf: {  	s0 =	rddreg [dreg:$0x0];
	s2 =	stileid.u32  }
0xb0: {  	s1 =	rddreg [dreg:$0x1];
	p0 =	sne.s32 s2, $0x0  }
0xb1: {  	s3 =	rddreg [dreg:$0x2];
	[bflag:$0x3] =	sbarrier.arrive $0xFFFF;
	s2 =	simm.s32 @!p0 $0x1C03  }
0xb2: {  	[timem:s3], [sflag:s2] =	dma.local @!p0 [hbm:s0], s1  }
0xb3: {  	s0 =	simm.s32 @!p0 $0x3  }
0xb4: {  	_ =	swait.ge @!p0 [sflag:s0], s1  }
0xb5: {  	s1 =	ssub.s32 @!p0 $0x0, s1;
	[sflag:s0] =	ssyncset.done @!p0 $0x0  }
0xb6: {  	[sflag:s0] =	ssyncadd.s32 @!p0 s1  }
0xb7: {  	[bflag:$0x3] =	sbarrier.arrive $0xFFFF  }
0xb8: {  	_ =	shalt  }

// kernel: kernel.7.cloned.1.call-start
scs
__scs_entry_jumppad:
0x0: {  	(pc) =	sbr.rel $0x88, $3  }
0x1: {  	(tag) =	ssettag $0x0;
	lr =	simm.s32 $0x1  }
0x2: {  	[smem:$0x3F99] =	sst lr;
	_ =	strace $0xD0000000  }
0x3: {  	_ = 	snop  }
0x4: {  	_ = 	snop  }
0x5: {  	_ = 	snop  }
0x6: {  	_ = 	snop  }
0x7: {  	_ = 	snop  }
__scs_overlays_trampoline_lowered:
0x8: {  	[smem:$0x3FA8] =	sst s0  }
0x9: {  	[smem:$0x3FA9] =	sst s1  }
0xa: {  	[smem:$0x3FAA] =	sst s2  }
0xb: {  	[smem:$0x3FAB] =	sst s3  }
0xc: {  	[smem:$0x3FAC] =	sst s4  }
0xd: {  	[smem:$0x3FAD] =	sst s5  }
0xe: {  	[smem:$0x3FAE] =	sst s6  }
0xf: {  	[smem:$0x3FAF] =	sst s7  }
0x10: {  	[smem:$0x3FB0] =	sst s8  }
0x11: {  	[smem:$0x3FB1] =	sst s9;
	s0 =	simm.s32 @!p0 $0x0  }
0x12: {  	s1 =	sld [smem:$0x3F97];
	s0 =	simm.s32 @p0 $0x1  }
0x13: {  	[smem:$0x3FB2] =	sst s0;
	s0 =	simm.s32 @!p1 $0x0  }
0x14: {  	s2 =	sld [smem:$0x3F96];
	s0 =	simm.s32 @p1 $0x1  }
0x15: {  	[smem:$0x3FB3] =	sst s0;
	s0 =	simm.s32 @!p2 $0x0  }
0x16: {  	s3 =	sld [smem:$0x3FDB];
	s0 =	simm.s32 @p2 $0x1  }
0x17: {  	s4 =	simm.s32 $0x1BF5;
	[smem:$0x3FB5] =	sst s0  }
0x18: {  	s0 =	sld [smem:$0x3F98];
	_ =	swait.ge [sflag:s4], $0x0  }
0x19: {  	s7 =	sld [smem:$0x3F99]  }
0x1a: {  	s8 =	sadd.s32 $0xFFFFE003, lr  }
0x1b: {  	s9 =	sadd.s32 $0xFFFFFEF7, lr;
	s5 =	simm.s32 $0xFFFFFFFF;
	p2 =	slt.u32 s8, $0xFFFFF086  }
0x1c: {  	p1 =	slt.u32 s9, $0xF7A;
	s5 =	simm.s32 @!p2 $0x0  }
0x1d: {  	s5 =	simm.s32 @p1 $0x1;
	p0 =	seq.s32 s7, s2  }
0x1e: {  	s7 =	smul.u32 @!p0 $0xF7A, s2;
	p2 =	seq.s32 @!p0 s5, $0x0  }
0x1f: {  	s9 =	smul.u32 $0xF7A, s1;
	s8 =	simm.s32 @!p0 $0x1BF5;
	p2 =	por !p2, p0  }
0x20: {  	[sflag:s8] =	ssyncset.s32 @!p0 $0xFFFFF086;
	s6 =	sadd.s32 @!p0 s3, s7;
	s7 =	simm.s32 @!p0 $0x108  }
0x21: {  	s3 =	sadd.s32 s3, s9;
	s6 =	sadd.s32 @!p0 $0x88, s6;
	s7 =	simm.s32 @p2 $0x1082  }
0x22: {  	[simem:s7], [sflag:s8] =	dma.local @!p0 [hbm:s6], $0xF7A  }
0x23: {  	s9 =	sor.u32 $0xD0000000, s2;
	s6 =	simm.s32 $0x108;
	_ =	swait.ge @!p0 [sflag:s8], $0x0  }
0x24: {  	s3 =	sadd.s32 $0x88, s3;
	s6 =	simm.s32 @!p1 $0x1082;
	[sflag:s4] =	ssyncset.s32 $0xFFFFF086  }
0x25: {  	[simem:s6], [sflag:s4] =	dma.local [hbm:s3], $0xF7A  }
0x26: {  	[smem:$0x3F99] =	sst s1;
	(tag) =	ssettag s2;
	_ =	strace s9  }
0x27: {  	s1 =	sld [smem:$0x3FA9]  }
0x28: {  	s2 =	sld [smem:$0x3FAA]  }
0x29: {  	s4 =	sld [smem:$0x3FAC]  }
0x2a: {  	p0 =	seq.s32 s5, $0x0;
	s5 =	sld [smem:$0x3FAD]  }
0x2b: {  	s6 =	sld [smem:$0x3FAE]  }
0x2c: {  	s7 =	sld [smem:$0x3FAF]  }
0x2d: {  	s3 =	simm.s32 $0x108;
	s8 =	sld [smem:$0x3FB0]  }
0x2e: {  	s3 =	simm.s32 @!p0 $0x1082;
	s9 =	sld [smem:$0x3FB1]  }
0x2f: {  	lr =	sadd.s32 s0, s3;
	s0 =	sld [smem:$0x3FA8]  }
0x30: {  	s3 =	sld [smem:$0x3FAB]  }
0x31: {  	[smem:$0x3FB4] =	sst s10  }
0x32: {  	s10 =	sld [smem:$0x3FB2];
	_ =	sdelay $0x3  }
0x33: {  	p0 =	seq.s32 s10, $0x1;
	s10 =	sld [smem:$0x3FB4];
	_ =	sdelay $0x3  }
0x34: {  	[smem:$0x3FB4] =	sst s10  }
0x35: {  	s10 =	sld [smem:$0x3FB3];
	_ =	sdelay $0x3  }
0x36: {  	p1 =	seq.s32 s10, $0x1;
	s10 =	sld [smem:$0x3FB4];
	_ =	sdelay $0x3  }
0x37: {  	[smem:$0x3FB4] =	sst s10  }
0x38: {  	s10 =	sld [smem:$0x3FB5]  }
0x39: {  	_ = 	snop;
	(pc) =	sbr.ind lr, $3  }
0x3a: {  	_ = 	snop  }
0x3b: {  	_ = 	snop  }
0x3c: {  	p2 =	seq.s32 s10, $0x1;
	s10 =	sld [smem:$0x3FB4]  }
0x3d: {  	_ =	shalt  }
0x3e: {  	_ =	shalt  }
0x3f: {  	_ =	shalt  }
0x40: {  	_ =	shalt  }
0x41: {  	_ =	shalt  }
0x42: {  	_ =	shalt  }
0x43: {  	_ =	shalt  }
0x44: {  	_ =	shalt  }
0x45: {  	_ =	shalt  }
0x46: {  	_ =	shalt  }
0x47: {  	_ =	shalt  }
0x48: {  	_ =	shalt  }
0x49: {  	_ =	shalt  }
0x4a: {  	_ =	shalt  }
0x4b: {  	_ =	shalt  }
0x4c: {  	_ =	shalt  }
0x4d: {  	_ =	shalt  }
0x4e: {  	_ =	shalt  }
0x4f: {  	_ =	shalt  }
0x50: {  	_ =	shalt  }
0x51: {  	_ =	shalt  }
0x52: {  	_ =	shalt  }
0x53: {  	_ =	shalt  }
0x54: {  	_ =	shalt  }
0x55: {  	_ =	shalt  }
0x56: {  	_ =	shalt  }
0x57: {  	_ =	shalt  }
0x58: {  	_ =	shalt  }
0x59: {  	_ =	shalt  }
0x5a: {  	_ =	shalt  }
0x5b: {  	_ =	shalt  }
0x5c: {  	_ =	shalt  }
0x5d: {  	_ =	shalt  }
0x5e: {  	_ =	shalt  }
0x5f: {  	_ =	shalt  }
0x60: {  	_ =	shalt  }
0x61: {  	_ =	shalt  }
0x62: {  	_ =	shalt  }
0x63: {  	_ =	shalt  }
0x64: {  	_ =	shalt  }
0x65: {  	_ =	shalt  }
0x66: {  	_ =	shalt  }
0x67: {  	_ =	shalt  }
0x68: {  	_ =	shalt  }
0x69: {  	_ =	shalt  }
0x6a: {  	_ =	shalt  }
0x6b: {  	_ =	shalt  }
0x6c: {  	_ =	shalt  }
0x6d: {  	_ =	shalt  }
0x6e: {  	_ =	shalt  }
0x6f: {  	_ =	shalt  }
0x70: {  	_ =	shalt  }
0x71: {  	_ =	shalt  }
0x72: {  	_ =	shalt  }
0x73: {  	_ =	shalt  }
0x74: {  	_ =	shalt  }
0x75: {  	_ =	shalt  }
0x76: {  	_ =	shalt  }
0x77: {  	_ =	shalt  }
0x78: {  	_ =	shalt  }
0x79: {  	_ =	shalt  }
0x7a: {  	_ =	shalt  }
0x7b: {  	_ =	shalt  }
0x7c: {  	_ =	shalt  }
0x7d: {  	_ =	shalt  }
0x7e: {  	_ =	shalt  }
0x7f: {  	_ =	shalt  }
0x80: {  	_ =	shalt  }
0x81: {  	_ =	shalt  }
0x82: {  	_ =	shalt  }
0x83: {  	_ =	shalt  }
0x84: {  	_ =	shalt  }
0x85: {  	_ =	shalt  }
0x86: {  	_ =	shalt  }
0x87: {  	_ =	shalt  }
.Lfunc_end0:
.L_simem_size_0:
called_computation_lowered:
.L_overlay_start_0:
0x88: {  	s2 =	sld [smem:$0x3FD9]  }
0x89: {  	s3 =	sld [smem:$0x3FFE];
	_ =	sdelay $0x1  }
0x8a: {  	s1 =	srdreg.scid  }
0x8b: {  	s0 =	sand.u32 $0x1, s1  }
0x8c: {  	s17 =	sshll.u32 s0, $0xA;
	s2 =	sadd.s32 s3, s2  }
0x8d: {  	s2 =	sadd.s32 s2, s17  }
0x8e: {  	[smem:$0x3FC0] =	sst s2  }
0x8f: {  	_ = 	snop  }
0x90: {  	s2 =	sld [smem:$0x3FD0];
	(tm) =	ssettm $0x1  }
0x91: {  	s18 =	sld [smem:$0x3FFB];
	_ =	sdelay $0x3  }
0x92: {  	_ =	strace s18  }
0x93: {  	s3 =	sld [smem:$0x3FFC];
	_ =	sdelay $0x3  }
0x94: {  	_ =	strace s3  }
0x95: {  	s3 =	sld [smem:$0x3FFD];
	_ =	sdelay $0x3  }
0x96: {  	_ =	strace s3  }
0x97: {  	_ =	strace $0x8FFFFFFF  }
0x98: {  	s19 =	sld [smem:$0x3FDB];
	_ =	sdelay $0x1  }
0x99: {  	s4 =	simm.s32 $_scs_section_size  }
0x9a: {  	s5 =	simm.s32 $_size__tile_overlayer_lowered;
	s6 =	simm.s32 $_tile_overlayer_lowered  }
0x9b: {  	s22 =	simm.s32 $0x1BFF;
	s21 =	sshll.u32 s6, $0x1;
	s3 =	sadd.s32 s4, s19  }
0x9c: {  	s7 =	simm.s32 $0x0;
	s20 =	sshll.u32 s5, $0x1;
	s5 =	sadd.s32 s21, s3  }
0x9d: {  	[timem:s7], [sflag:s22] =	dma.local [hbm:s5], s20  }
0x9e: {  	_ =	swait.ge [sflag:s22], s20  }
0x9f: {  	s4 =	ssub.s32 $0x0, s20;
	[sflag:s22] =	ssyncset.done $0x0  }
0xa0: {  	[sflag:s22] =	ssyncadd.s32 s4;
	_ =	sdelay $0x1  }
0xa1: {  	s23 =	simm.s32 $0x1B8B  }
0xa2: {  	_ =	swait.ge [sflag:s23], $0x1  }
0xa3: {  	[sflag:s23] =	ssyncset.done $0x0  }
0xa4: {  	s25 =	simm.s32 $0x1B8E;
	s24 =	sld [smem:$0x3FFE];
	[sflag:s23] =	ssyncadd.s32 $0xFFFFFFFF  }
0xa5: {  	s26 =	simm.s32 $execute0_lowered;
	[smem:$0x3FD2] =	sst s25  }
0xa6: {  	s5 =	sshll.u32 s26, $0x1;
	_ =	strace $0x80000046;
	[dreg:$0x1] =	wrdreg $0xFFFFFFFF  }
0xa7: {  	s28 =	simm.s32 $_size_execute0_lowered;
	s3 =	sadd.s32 s3, s5;
	[dreg:$0x0] =	wrdreg $0x0  }
0xa8: {  	s5 =	sshll.u32 s28, $0x1;
	[dreg:$0x2] =	wrdreg s3  }
0xa9: {  	[dreg:$0x3] =	wrdreg s5  }
0xaa: {  	[dreg:$0x4] =	wrdreg $0xC0  }
0xab: {  	_ =	task [dreg:s7], $0x5FFFF  }
0xac: {  	[dreg:$0x1] =	wrdreg $0xFFFFFFFF  }
0xad: {  	[dreg:$0x0] =	wrdreg $0x60  }
0xae: {  	[dreg:$0x2] =	wrdreg s2  }
0xaf: {  	[dreg:$0x3] =	wrdreg s24  }
0xb0: {  	[dreg:$0x4] =	wrdreg $0xFE000  }
0xb1: {  	[dreg:$0x5] =	wrdreg $0x9  }
0xb2: {  	_ =	task.clear_ibuf [dreg:s7], $0x6FFFF;
	_ =	strace $0x90000046  }
0xb3: {  	s29 =	simm.s32 $0x9;
	_ =	strace $0x80000048  }
0xb4: {  	_ =	swait.ge [sflag:s29], $0x1  }
0xb5: {  	[sflag:s29] =	ssyncadd.s32 $0xFFFFFFFF  }
0xb6: {  	_ =	strace $0x90000048  }
0xb7: {  	_ =	sfence  }
0xb8: {  	s30 =	sld [smem:$0x0];
	_ =	sdelay $0x2  }
0xb9: {  	s31 =	sshll.u32 s1, $0xD;
	s1 =	sshrl.u32 s1, $0x2  }
0xba: {  	s3 =	sand.u32 $0x4000, s31;
	s1 =	sadd.s32 s1, s30  }
0xbb: {  	s0 =	sor.u32 s3, s0;
	s1 =	sshll.u32 s1, $0x11  }
0xbc: {  	s0 =	sor.u32 s1, s0  }
0xbd: {  	s0 =	sadd.s32 $0x8F2B, s0  }
0xbe: {  	[sflag:s0] =	ssyncadd.remote.s32 $0x1  }
0xbf: {  	_ =	sfence.sel $0xFFFF  }
0xc0: {  	[dreg:$0x0] =	wrdreg $0xFFFFFFFF;
	(pc) =	sbr.abs _section_cstart, $3  }
0xc1: {  	[dreg:$0x1] =	wrdreg $0xFFFFFFFF  }
0xc2: {  	_ =	task.clear_ibuf [dreg:s7], $0x2FFFF;
	_ =	strace $0x9FFFFFFF  }
0xc3: {  	(tm) =	ssettm $0x7FFFFFFF  }
tec
execute0_lowered:
.L_overlay_start_1:
0x0: {  	(tag) =	ssettag $0x1  }
0x1: {  	s1 =	rddreg [dreg:$0x0]  }
0x2: {  	s0 =	srdreg.scid;
	s2 =	rddreg [dreg:$0x1]  }
0x3: {  	s10 =	stileid.u32;
	s3 =	rddreg [dreg:$0x2]  }
0x4: {  	s4 =	simm.s32 $0x0;
	s21 =	simm.s32 $0xDE00;
	s22 =	simm.s32 $0x1  }
0x5: {  	s23 =	simm.s32 $0x80;
	s24 =	simm.s32 $0x9E00;
	s25 =	simm.s32 $0xBE00  }
0x6: {  	s26 =	simm.s32 $0x2;
	s30 =	simm.s32 $0x9D80;
	s5 =	smul.u32 $0x4F00, s10  }
0x7: {  	s31 =	simm.s32 $0x0;
	s0 =	sand.u32 $0x1, s0;
	s12 =	smul.u32 $0xA000, s10  }
0x8: {  	[smem:$0x7FF] =	sst s4;
	s6 =	smul.u32 $0x4F000, s0;
	s8 =	ssub.s32 $0x2, s0  }
0x9: {  	_ =	strace $0x80000047;
	s0 =	smul.u32 $0xA0000, s0;
	s9 =	sshrl.u32 s8, $0x1  }
0xa: {  	s13 =	sadd.s32 $0x2000, s12;
	s15 =	sadd.s32 $0x4000, s12;
	s16 =	sadd.s32 $0x6000, s12  }
0xb: {  	s17 =	sadd.s32 $0x8000, s12;
	s6 =	sadd.s32 s5, s6;
	s5 =	sshrl.u32 s5, $0x3  }
0xc: {  	s18 =	ssub.s32 s8, s9;
	s8 =	sadd.s32 s12, s3;
	s9 =	sadd.s32 s13, s3  }
0xd: {  	s10 =	sadd.s32 s15, s3;
	s11 =	sadd.s32 s16, s3;
	s14 =	sadd.s32 s12, s0  }
0xe: {  	s13 =	sadd.s32 s0, s13;
	s12 =	sadd.s32 s17, s3;
	s15 =	sadd.s32 s0, s15  }
0xf: {  	s16 =	sadd.s32 s0, s16;
	s0 =	sadd.s32 s0, s17;
	s6 =	sshrl.u32 s6, $0x3  }
0x10: {  	s7 =	sadd.s32 s5, s2;
	s5 =	sadd.s32 $0x1EE00, s2;
	s14 =	sshrl.u32 s14, $0x3  }
0x11: {  	s19 =	sshrl.u32 s13, $0x3;
	s15 =	sshrl.u32 s15, $0x3;
	s16 =	sshrl.u32 s16, $0x3  }
0x12: {  	s0 =	sshrl.u32 s0, $0x3;
	s18 =	smax.u32 s18, $0x1;
	s6 =	sadd.s32 s6, s2  }
0x13: {  	s2 =	sadd.s32 $0x1F200, s2;
	s7 =	sadd.s32 $0x15000, s7;
	s6 =	sadd.s32 $0x1400, s6  }
0x14: {  	s13 =	sadd.s32 s2, s14;
	s14 =	sadd.s32 s2, s19;
	s15 =	sadd.s32 s2, s15  }
0x15: {  	s16 =	sadd.s32 s2, s16;
	s17 =	sadd.s32 s2, s0;
	s19 =	simm.s32 $0x3  }
.LBB2_1:
0x16: {  	[tilespmem:s4], [sflag:$0x3] =	stream.linear.gather [hbm4b:s6+s4], $0x4F00, $0x38;
	[tilespmem:$0x19E00] =	vst v63  }
0x17: {  	_ =	swait.ge [sflag:s19], $0x4F00  }
0x18: {  	[sflag:s19] =	ssyncset.done $0x0  }
0x19: {  	s0 =	simm.s32 $0x4F00;
	[sflag:s19] =	ssyncadd.s32 $0xFFFFB100  }
0x1a: {  	[tilespmem:s0], [sflag:$0x3] =	stream.linear.gather [hbm4b:s7+s4], $0x4F00, $0x38;
	[tilespmem:$0x19E00] =	vst v63  }
0x1b: {  	_ =	swait.ge [sflag:s19], $0x4F00  }
0x1c: {  	[sflag:s19] =	ssyncset.done $0x0  }
0x1d: {  	[sflag:s19] =	ssyncadd.s32 $0xFFFFB100  }
0x1e: {  	[tilespmem:s21], [sflag:$0x3] =	stream.linear.gather [hbm4b:s5+s4], $0x2000, $0x38;
	[tilespmem:$0x19E00] =	vst v63  }
0x1f: {  	_ =	swait.ge [sflag:s19], $0x2000  }
0x20: {  	[sflag:s19] =	ssyncset.done $0x0  }
0x21: {  	[sflag:s19] =	ssyncadd.s32 $0xFFFFE000  }
0x22: {  	[spmem:s8] =	stream.linear.scatter [tilespmem:s21], [sflag:$0x1], $0x2000, $0x38;
	[tilespmem:$0x19E00] =	vst v63  }
0x23: {  	_ = 	snop  }
0x24: {  	[spmem:s9] =	stream.linear.scatter [tilespmem:s21], [sflag:$0x1], $0x2000, $0x38;
	[tilespmem:$0x19E00] =	vst v63  }
0x25: {  	_ = 	snop  }
0x26: {  	[spmem:s10] =	stream.linear.scatter [tilespmem:s21], [sflag:$0x1], $0x2000, $0x38;
	[tilespmem:$0x19E00] =	vst v63  }
0x27: {  	_ = 	snop  }
0x28: {  	[spmem:s11] =	stream.linear.scatter [tilespmem:s21], [sflag:$0x1], $0x2000, $0x38;
	[tilespmem:$0x19E00] =	vst v63  }
0x29: {  	_ = 	snop  }
0x2a: {  	[spmem:s12] =	stream.linear.scatter [tilespmem:s21], [sflag:$0x1], $0x2000, $0x38;
	[tilespmem:$0x19E00] =	vst v63  }
0x2b: {  	_ =	swait.ge [sflag:s22], $0x2000  }
0x2c: {  	[sflag:s22] =	ssyncset.done $0x0  }
0x2d: {  	[sflag:s22] =	ssyncadd.s32 $0xFFFFE000  }
0x2e: {  	_ =	swait.ge [sflag:s22], $0x2000  }
0x2f: {  	[sflag:s22] =	ssyncset.done $0x0  }
0x30: {  	[sflag:s22] =	ssyncadd.s32 $0xFFFFE000  }
0x31: {  	_ =	swait.ge [sflag:s22], $0x2000  }
0x32: {  	[sflag:s22] =	ssyncset.done $0x0  }
0x33: {  	[sflag:s22] =	ssyncadd.s32 $0xFFFFE000  }
0x34: {  	_ =	swait.ge [sflag:s22], $0x2000  }
0x35: {  	[sflag:s22] =	ssyncset.done $0x0  }
0x36: {  	[sflag:s22] =	ssyncadd.s32 $0xFFFFE000  }
0x37: {  	_ =	swait.ge [sflag:s22], $0x2000  }
0x38: {  	[sflag:s22] =	ssyncset.done $0x0  }
0x39: {  	[sflag:s22] =	ssyncadd.s32 $0xFFFFE000  }
0x3a: {  	[bflag:$0x0] =	sbarrier.arrive $0xFFFF  }
0x3b: {  	[tilespmem:s24], [sflag:$0x1] =	stream.indirect.gather [hbm4b:s1+s23], $0x40, s4, s23, $0xb8;
	[tilespmem:$0x19E00] =	vst v63  }
0x3c: {  	s2 =	simm.s32 $0x80  }
0x3d: {  	[tilespmem:s25], [sflag:$0x2] =	stream.indirect.gather [hbm4b:s1+s23], $0x40, s2, s23, $0xb8;
	[tilespmem:$0x19E00] =	vst v63  }
0x3e: {  	_ =	swait.ge [sflag:s22], $0x2000  }
0x3f: {  	[sflag:s22] =	ssyncset.done $0x0  }
0x40: {  	s20 =	simm.s32 $0x4F00;
	[sflag:s22] =	ssyncadd.s32 $0xFFFFE000  }
0x41: {  	[spmem:s3] =	stream.indirect.scatter.add.f32 [tilespmem:s24], [sflag:$0x3], $0x40, s20, s23, $0xb8;
	[tilespmem:$0x19E00] =	vst v63  }
0x42: {  	_ =	swait.ge [sflag:s19], $0x2000  }
0x43: {  	[sflag:s19] =	ssyncset.done $0x0  }
0x44: {  	s28 =	simm.s32 $0x100;
	[sflag:s19] =	ssyncadd.s32 $0xFFFFE000  }
0x45: {  	[tilespmem:s24], [sflag:$0x1] =	stream.indirect.gather [hbm4b:s1+s23], $0x40, s28, s23, $0xb8;
	[tilespmem:$0x19E00] =	vst v63  }
0x46: {  	_ =	swait.ge [sflag:s26], $0x2000  }
0x47: {  	[sflag:s26] =	ssyncset.done $0x0  }
0x48: {  	s29 =	simm.s32 $0x4F80;
	[sflag:s26] =	ssyncadd.s32 $0xFFFFE000  }
0x49: {  	[spmem:s3] =	stream.indirect.scatter.add.f32 [tilespmem:s25], [sflag:$0x3], $0x40, s29, s23, $0xb8;
	[tilespmem:$0x19E00] =	vst v63  }
0x4a: {  	_ =	swait.ge [sflag:s19], $0x2000  }
0x4b: {  	s0 =	simm.s32 $0x800;
	s2 =	simm.s32 $0x100;
	[sflag:s19] =	ssyncset.done $0x0  }
.LBB2_2:
0x4c: {  	s20 =	sadd.s32 $0x80, s2  }
0x4d: {  	[sflag:s19] =	ssyncadd.s32 $0xFFFFE000;
	s28 =	smov.u32 s0;
	s29 =	sadd.s32 $0x400, s0  }
0x4e: {  	[tilespmem:s25], [sflag:$0x2] =	stream.indirect.gather [hbm4b:s1+s23], $0x40, s20, s23, $0xb8;
	[tilespmem:$0x19E00] =	vst v63  }
0x4f: {  	p0 =	sne.s32 s0, $0x13400;
	_ =	swait.ge [sflag:s22], $0x2000  }
0x50: {  	[sflag:s22] =	ssyncset.done $0x0  }
0x51: {  	s0 =	sadd.s32 $0x4F00, s2;
	[sflag:s22] =	ssyncadd.s32 $0xFFFFE000  }
0x52: {  	[spmem:s3] =	stream.indirect.scatter.add.f32 [tilespmem:s24], [sflag:$0x3], $0x40, s0, s23, $0xb8;
	[tilespmem:$0x19E00] =	vst v63  }
0x53: {  	_ =	swait.ge [sflag:s19], $0x2000  }
0x54: {  	[sflag:s19] =	ssyncset.done $0x0  }
0x55: {  	s0 =	sadd.s32 $0x100, s2;
	[sflag:s19] =	ssyncadd.s32 $0xFFFFE000  }
0x56: {  	[tilespmem:s24], [sflag:$0x1] =	stream.indirect.gather [hbm4b:s1+s23], $0x40, s0, s23, $0xb8;
	[tilespmem:$0x19E00] =	vst v63  }
0x57: {  	_ =	swait.ge [sflag:s26], $0x2000  }
.Ltmp0:
0x58: {  	[sflag:s26] =	ssyncset.done $0x0;
	(pc) =	sbr.rel @p0 .LBB2_2-.Ltmp0, $4  }
0x59: {  	s0 =	sadd.s32 $0x4F80, s2;
	[sflag:s26] =	ssyncadd.s32 $0xFFFFE000  }
0x5a: {  	[spmem:s3] =	stream.indirect.scatter.add.f32 [tilespmem:s25], [sflag:$0x3], $0x40, s0, s23, $0xb8;
	[tilespmem:$0x19E00] =	vst v63  }
0x5b: {  	_ =	swait.ge [sflag:s19], $0x2000  }
0x5c: {  	s2 =	sshra.s32 s28, $0x2;
	s0 =	smov.u32 s29;
	[sflag:s19] =	ssyncset.done $0x0  }
0x5d: {  	s0 =	sadd.s32 $0x80, s2;
	[sflag:s19] =	ssyncadd.s32 $0xFFFFE000  }
0x5e: {  	[tilespmem:s25], [sflag:$0x2] =	stream.indirect.gather [hbm4b:s1+s23], $0x40, s0, s23, $0xb8;
	[tilespmem:$0x19E00] =	vst v63  }
0x5f: {  	_ =	swait.ge [sflag:s22], $0x2000  }
0x60: {  	[sflag:s22] =	ssyncset.done $0x0  }
0x61: {  	s28 =	sadd.s32 $0x4F00, s2;
	[sflag:s22] =	ssyncadd.s32 $0xFFFFE000  }
0x62: {  	[spmem:s3] =	stream.indirect.scatter.add.f32 [tilespmem:s24], [sflag:$0x3], $0x40, s28, s23, $0xb8;
	[tilespmem:$0x19E00] =	vst v63  }
0x63: {  	_ =	swait.ge [sflag:s19], $0x2000  }
0x64: {  	[sflag:s19] =	ssyncset.done $0x0  }
0x65: {  	s29 =	sadd.s32 $0x100, s2;
	[sflag:s19] =	ssyncadd.s32 $0xFFFFE000  }
0x66: {  	[tilespmem:s24], [sflag:$0x1] =	stream.indirect.gather [hbm4b:s1+s23], $0x40, s29, s23, $0xb8;
	[tilespmem:$0x19E00] =	vst v63  }
0x67: {  	_ =	swait.ge [sflag:s26], $0x2000  }
0x68: {  	[sflag:s26] =	ssyncset.done $0x0  }
0x69: {  	s20 =	sadd.s32 $0x4F80, s2;
	[sflag:s26] =	ssyncadd.s32 $0xFFFFE000  }
0x6a: {  	[spmem:s3] =	stream.indirect.scatter.add.f32 [tilespmem:s25], [sflag:$0x3], $0x40, s20, s23, $0xb8;
	[tilespmem:$0x19E00] =	vst v63  }
0x6b: {  	_ =	swait.ge [sflag:s19], $0x2000  }
0x6c: {  	[sflag:s19] =	ssyncset.done $0x0  }
0x6d: {  	s28 =	simm.s32 $0x4E80;
	[sflag:s19] =	ssyncadd.s32 $0xFFFFE000  }
0x6e: {  	[tilespmem:s25], [sflag:$0x2] =	stream.indirect.gather [hbm4b:s1+s23], $0x40, s28, s23, $0xb8;
	[tilespmem:$0x19E00] =	vst v63  }
0x6f: {  	_ =	swait.ge [sflag:s22], $0x2000  }
0x70: {  	[sflag:s22] =	ssyncset.done $0x0  }
0x71: {  	s29 =	simm.s32 $0x9D00;
	[sflag:s22] =	ssyncadd.s32 $0xFFFFE000  }
0x72: {  	[spmem:s3] =	stream.indirect.scatter.add.f32 [tilespmem:s24], [sflag:$0x3], $0x40, s29, s23, $0xb8;
	[tilespmem:$0x19E00] =	vst v63  }
0x73: {  	_ =	swait.ge [sflag:s19], $0x2000  }
0x74: {  	[sflag:s19] =	ssyncset.done $0x0  }
0x75: {  	[sflag:s19] =	ssyncadd.s32 $0xFFFFE000  }
0x76: {  	_ =	swait.ge [sflag:s26], $0x2000  }
0x77: {  	[sflag:s26] =	ssyncset.done $0x0  }
0x78: {  	[sflag:s26] =	ssyncadd.s32 $0xFFFFE000  }
0x79: {  	[spmem:s3] =	stream.indirect.scatter.add.f32 [tilespmem:s25], [sflag:$0x3], $0x40, s30, s23, $0xb8;
	[tilespmem:$0x19E00] =	vst v63  }
0x7a: {  	_ =	swait.ge [sflag:s19], $0x2000  }
0x7b: {  	[sflag:s19] =	ssyncset.done $0x0  }
0x7c: {  	[sflag:s19] =	ssyncadd.s32 $0xFFFFE000  }
0x7d: {  	[bflag:$0x0] =	sbarrier.arrive $0xFFFF  }
0x7e: {  	[tilespmem:s24], [sflag:$0x1] =	stream.linear.gather [spmem:s8], $0x2000, $0x38;
	[tilespmem:$0x19E00] =	vst v63  }
0x7f: {  	_ =	swait.ge [sflag:s22], $0x2000  }
0x80: {  	[sflag:s22] =	ssyncset.done $0x0  }
0x81: {  	[sflag:s22] =	ssyncadd.s32 $0xFFFFE000  }
0x82: {  	[hbm4b:s13+s4] =	stream.linear.scatter [tilespmem:s24], [sflag:$0x1], $0x2000, $0x38;
	[tilespmem:$0x19E00] =	vst v63  }
0x83: {  	_ = 	snop  }
0x84: {  	[tilespmem:s25], [sflag:$0x2] =	stream.linear.gather [spmem:s9], $0x2000, $0x38;
	[tilespmem:$0x19E00] =	vst v63  }
0x85: {  	_ =	swait.ge [sflag:s26], $0x2000  }
0x86: {  	[sflag:s26] =	ssyncset.done $0x0  }
0x87: {  	[sflag:s26] =	ssyncadd.s32 $0xFFFFE000  }
0x88: {  	[hbm4b:s14+s4] =	stream.linear.scatter [tilespmem:s25], [sflag:$0x2], $0x2000, $0x38;
	[tilespmem:$0x19E00] =	vst v63  }
0x89: {  	_ =	swait.ge [sflag:s22], $0x2000  }
0x8a: {  	[sflag:s22] =	ssyncset.done $0x0  }
0x8b: {  	[sflag:s22] =	ssyncadd.s32 $0xFFFFE000  }
0x8c: {  	[tilespmem:s24], [sflag:$0x1] =	stream.linear.gather [spmem:s10], $0x2000, $0x38;
	[tilespmem:$0x19E00] =	vst v63  }
0x8d: {  	_ =	swait.ge [sflag:s22], $0x2000  }
0x8e: {  	[sflag:s22] =	ssyncset.done $0x0  }
0x8f: {  	[sflag:s22] =	ssyncadd.s32 $0xFFFFE000  }
0x90: {  	[hbm4b:s15+s4] =	stream.linear.scatter [tilespmem:s24], [sflag:$0x1], $0x2000, $0x38;
	[tilespmem:$0x19E00] =	vst v63  }
0x91: {  	_ =	swait.ge [sflag:s26], $0x2000  }
0x92: {  	[sflag:s26] =	ssyncset.done $0x0  }
0x93: {  	[sflag:s26] =	ssyncadd.s32 $0xFFFFE000  }
0x94: {  	[tilespmem:s25], [sflag:$0x2] =	stream.linear.gather [spmem:s11], $0x2000, $0x38;
	[tilespmem:$0x19E00] =	vst v63  }
0x95: {  	_ =	swait.ge [sflag:s26], $0x2000  }
0x96: {  	[sflag:s26] =	ssyncset.done $0x0  }
0x97: {  	[sflag:s26] =	ssyncadd.s32 $0xFFFFE000  }
0x98: {  	[hbm4b:s16+s4] =	stream.linear.scatter [tilespmem:s25], [sflag:$0x2], $0x2000, $0x38;
	[tilespmem:$0x19E00] =	vst v63  }
0x99: {  	_ =	swait.ge [sflag:s22], $0x2000  }
0x9a: {  	[sflag:s22] =	ssyncset.done $0x0  }
0x9b: {  	[sflag:s22] =	ssyncadd.s32 $0xFFFFE000  }
0x9c: {  	[tilespmem:s24], [sflag:$0x1] =	stream.linear.gather [spmem:s12], $0x2000, $0x38;
	[tilespmem:$0x19E00] =	vst v63  }
0x9d: {  	_ =	swait.ge [sflag:s22], $0x2000  }
0x9e: {  	[sflag:s22] =	ssyncset.done $0x0  }
0x9f: {  	s31 =	sadd.s32 $0x1, s31;
	[sflag:s22] =	ssyncadd.s32 $0xFFFFE000  }
0xa0: {  	[hbm4b:s17+s4] =	stream.linear.scatter [tilespmem:s24], [sflag:$0x1], $0x2000, $0x38;
	[tilespmem:$0x19E00] =	vst v63  }
0xa1: {  	p0 =	sne.s32 s31, s18;
	_ =	swait.ge [sflag:s26], $0x2000  }
.Ltmp1:
0xa2: {  	[sflag:s26] =	ssyncset.done $0x0;
	(pc) =	sbr.rel @p0 .LBB2_1-.Ltmp1, $4  }
0xa3: {  	[sflag:s26] =	ssyncadd.s32 $0xFFFFE000  }
0xa4: {  	_ =	swait.ge [sflag:s22], $0x2000  }
0xa5: {  	[sflag:s22] =	ssyncset.done $0x0  }
0xa6: {  	[sflag:s22] =	ssyncadd.s32 $0xFFFFE000  }
0xa7: {  	_ =	sfence.sel $0x180000  }
0xa8: {  	[bflag:$0x0] =	sbarrier.arrive $0xFFFF  }
0xa9: {  	_ =	strace $0x90000047  }
0xaa: {  	s0 =	stileid.u32;
	[bflag:$0x2] =	sbarrier.arrive $0xFFFF  }
0xab: {  	p0 =	sne.s32 s0, $0x0;
	s0 =	rddreg [dreg:$0x3]  }
0xac: {  	s0 =	sadd.s32 @!p0 $0x100000, s0  }
0xad: {  	[sflag:s0] =	ssyncadd.tile.s32 @!p0 $0x1;
	_ =	shalt  }
.Lfunc_end2:
_tile_overlayer_lowered:
.L_overlay_start_2:
0xae: {  	(tag) =	ssettag $0x2  }
0xaf: {  	s0 =	rddreg [dreg:$0x0];
	s2 =	stileid.u32  }
0xb0: {  	s1 =	rddreg [dreg:$0x1];
	p0 =	sne.s32 s2, $0x0  }
0xb1: {  	s3 =	rddreg [dreg:$0x2];
	[bflag:$0x3] =	sbarrier.arrive $0xFFFF;
	s2 =	simm.s32 @!p0 $0x1C03  }
0xb2: {  	[timem:s3], [sflag:s2] =	dma.local @!p0 [hbm:s0], s1  }
0xb3: {  	s0 =	simm.s32 @!p0 $0x3  }
0xb4: {  	_ =	swait.ge @!p0 [sflag:s0], s1  }
0xb5: {  	s1 =	ssub.s32 @!p0 $0x0, s1;
	[sflag:s0] =	ssyncset.done @!p0 $0x0  }
0xb6: {  	[sflag:s0] =	ssyncadd.s32 @!p0 s1  }
0xb7: {  	[bflag:$0x3] =	sbarrier.arrive $0xFFFF  }
0xb8: {  	_ =	shalt  }

</sc_bundles>
